<compile_context>
chip_gen: v7x
topology: tpu7x:2x2x1
jax: 0.10.2.dev20260603
libtpu: 0.0.44.dev20260713+nightly
codegen_flags: <defaults>
</compile_context>

<pallas_src>
import functools

import jax
import jax.numpy as jnp
from jax import lax
from jax.experimental import pallas as pl
from jax.experimental.pallas import tpu as pltpu
from jax.experimental.pallas import tpu_sc as plsc

_EPS = 1e-06
_BATCH = 16384
_ACTION_DIM = 32
_LANES = 16
_NUM_CORES = 2
_NUM_WORKERS = 16 * _NUM_CORES
_CHUNK = _BATCH
_UNROLL = 16
_HALF = _CHUNK // 2
_STEPS = _HALF // (_LANES * _UNROLL)


@functools.partial(
    pl.kernel,
    out_type=jax.ShapeDtypeStruct((_ACTION_DIM, _BATCH), jnp.int32),
    mesh=plsc.VectorSubcoreMesh(
        core_axis_name="c", subcore_axis_name="s", num_cores=_NUM_CORES
    ),
    scratch_types=[
        pltpu.VMEM((_CHUNK,), jnp.float32),
        pltpu.VMEM((_CHUNK,), jnp.int32),
        pltpu.SemaphoreType.DMA,
        pltpu.SemaphoreType.DMA,
    ],
    compiler_params=pltpu.CompilerParams(skip_device_barrier=True),
)
def _tokenize_sc(actions_hbm, out_hbm, act_v, tok_v, sem_in, sem_out):
    wid = lax.axis_index("s") * _NUM_CORES + lax.axis_index("c")

    def compute_half(h):
        def step(i, carry):
            off = h * _HALF + i * (_LANES * _UNROLL)
            for u in range(_UNROLL):
                sl = pl.ds(off + u * _LANES, _LANES)
                v = act_v[sl]
                v = jnp.minimum(jnp.maximum(v, _EPS), 1.0 - _EPS)
                tok_v[sl] = (v * 256.0).astype(jnp.int32)
            return carry

        lax.fori_loop(0, _STEPS, step, 0)

    row_in = actions_hbm.at[wid]
    row_out = out_hbm.at[wid]
    in0 = pltpu.async_copy(row_in.at[pl.ds(0, _HALF)], act_v.at[pl.ds(0, _HALF)], sem_in)
    in1 = pltpu.async_copy(
        row_in.at[pl.ds(_HALF, _HALF)], act_v.at[pl.ds(_HALF, _HALF)], sem_in
    )
    in0.wait()
    compute_half(0)
    out0 = pltpu.async_copy(
        tok_v.at[pl.ds(0, _HALF)], row_out.at[pl.ds(0, _HALF)], sem_out
    )
    in1.wait()
    compute_half(1)
    out1 = pltpu.async_copy(
        tok_v.at[pl.ds(_HALF, _HALF)], row_out.at[pl.ds(_HALF, _HALF)], sem_out
    )
    out0.wait()
    out1.wait()


def kernel(actions, thresholds):
    del thresholds
    return _tokenize_sc(actions.T).T

# --- scband reference (transcript-rebuilt; emitter-appended) ---
"""Pipeline reference for scband-action-tokenizer-32049045963005 (READ-ONLY COPY).

The authoritative reference and input builder live on the scoring server;
editing this copy changes nothing except your own understanding.
"""

import jax, jax.numpy as jnp
import numpy as np

EPS = 1e-06
ACTION_DIM = 32
VOCAB_SIZE = 256
LOW = 0.0
HIGH = 1.0
BATCH = 16384


def setup_inputs(seed: int = 0) -> dict:
    key = jax.random.key(seed)
    actions = jax.random.uniform(key, (BATCH, ACTION_DIM), dtype=jnp.float32)
    # non-learned buffer built in setup() for normalization_type='bounds'
    thresholds = jnp.linspace(LOW, HIGH, VOCAB_SIZE + 1)
    return {"actions": actions, "thresholds": thresholds}


def reference(actions, thresholds):
    # mode='tokenize', normalization_type='bounds'
    actions = jnp.clip(actions, LOW + EPS, HIGH - EPS)
    actions = actions[..., None]
    token_one_hot = (actions < thresholds[1:]) & (actions >= thresholds[:-1]).astype(jnp.uint8)
    action_tokens = jnp.argmax(token_one_hot, axis=-1)
    return action_tokens

if __name__ == "__main__":
    import jax
    _d = setup_inputs()
    print(jax.jit(kernel)(*tuple(_d.values())))

</pallas_src>

<mosaic_0001>
#map = affine_map<(d0, d1) -> (0, 0)>
module attributes {stable_mosaic.version = 14 : i64} {
  func.func @_tokenize_sc(%arg0: i32, %arg1: i32, %arg2: memref<32x16384xf32, #tpu.memory_space<hbm>>, %arg3: memref<32x16384xi32, #tpu.memory_space<hbm>>, %arg4: memref<16384xf32, #tpu.memory_space<vmem>>, %arg5: memref<16384xi32, #tpu.memory_space<vmem>>, %arg6: memref<!tpu.dma_semaphore, #tpu.memory_space<semaphore_mem>>, %arg7: memref<!tpu.dma_semaphore, #tpu.memory_space<semaphore_mem>>) attributes {dimension_semantics = [#tpu.dimension_semantics<core_parallel>, #tpu.dimension_semantics<subcore_parallel>], iteration_bounds = array<i64: 2, 16>, scalar_prefetch = 0 : i64, scratch_operands = 4 : i64, tpu.core_type = #tpu.core_type<sc_vector_subcore>, window_params = [{transform_indices = #map}, {transform_indices = #map}]} {
    %mul3A = arith.constant 2 : i32
    %mul3A_0 = arith.muli %arg1, %mul3A : i32
    %add3A = arith.addi %mul3A_0, %arg0 : i32
    %dma_start3A = arith.constant 0 : i32
    %dma_start3A_1 = tpu.memref_slice %arg4[%dma_start3A] : memref<16384xf32, #tpu.memory_space<vmem>> -> memref<8192xf32, #tpu.memory_space<vmem>>
    %dma_start3A_2 = arith.constant 0 : i32
    %dma_start3A_3 = tpu.memref_slice %arg2[%add3A, %dma_start3A_2] : memref<32x16384xf32, #tpu.memory_space<hbm>> -> memref<1x16384xf32, #tpu.memory_space<hbm>>
    %dma_start3A_4 = tpu.memref_squeeze %dma_start3A_3 : memref<1x16384xf32, #tpu.memory_space<hbm>> -> memref<16384xf32, #tpu.memory_space<hbm>>
    %dma_start3A_5 = arith.constant 0 : i32
    %dma_start3A_6 = tpu.memref_slice %dma_start3A_4[%dma_start3A_5] : memref<16384xf32, #tpu.memory_space<hbm>> -> memref<8192xf32, #tpu.memory_space<hbm>>
    %dma_start3A_7 = arith.constant 0 : i32
    %dma_start3A_8 = tpu.memref_slice %arg4[%dma_start3A_7] : memref<16384xf32, #tpu.memory_space<vmem>> -> memref<8192xf32, #tpu.memory_space<vmem>>
    %dma_start3A_9 = arith.constant 0 : i32
    %dma_start3A_10 = tpu.memref_slice %arg2[%add3A, %dma_start3A_9] : memref<32x16384xf32, #tpu.memory_space<hbm>> -> memref<1x16384xf32, #tpu.memory_space<hbm>>
    %dma_start3A_11 = tpu.memref_squeeze %dma_start3A_10 : memref<1x16384xf32, #tpu.memory_space<hbm>> -> memref<16384xf32, #tpu.memory_space<hbm>>
    %dma_start3A_12 = arith.constant 0 : i32
    %dma_start3A_13 = tpu.memref_slice %dma_start3A_11[%dma_start3A_12] : memref<16384xf32, #tpu.memory_space<hbm>> -> memref<8192xf32, #tpu.memory_space<hbm>>
    tpu.enqueue_dma source(%dma_start3A_13 : memref<8192xf32, #tpu.memory_space<hbm>>) target(%dma_start3A_8 : memref<8192xf32, #tpu.memory_space<vmem>>) target_semaphore(%arg6 : memref<!tpu.dma_semaphore, #tpu.memory_space<semaphore_mem>>)
    %dma_start3A_14 = arith.constant 8192 : i32
    %dma_start3A_15 = tpu.memref_slice %arg4[%dma_start3A_14] : memref<16384xf32, #tpu.memory_space<vmem>> -> memref<8192xf32, #tpu.memory_space<vmem>>
    %dma_start3A_16 = arith.constant 0 : i32
    %dma_start3A_17 = tpu.memref_slice %arg2[%add3A, %dma_start3A_16] : memref<32x16384xf32, #tpu.memory_space<hbm>> -> memref<1x16384xf32, #tpu.memory_space<hbm>>
    %dma_start3A_18 = tpu.memref_squeeze %dma_start3A_17 : memref<1x16384xf32, #tpu.memory_space<hbm>> -> memref<16384xf32, #tpu.memory_space<hbm>>
    %dma_start3A_19 = arith.constant 8192 : i32
    %dma_start3A_20 = tpu.memref_slice %dma_start3A_18[%dma_start3A_19] : memref<16384xf32, #tpu.memory_space<hbm>> -> memref<8192xf32, #tpu.memory_space<hbm>>
    %dma_start3A_21 = arith.constant 8192 : i32
    %dma_start3A_22 = tpu.memref_slice %arg4[%dma_start3A_21] : memref<16384xf32, #tpu.memory_space<vmem>> -> memref<8192xf32, #tpu.memory_space<vmem>>
    %dma_start3A_23 = arith.constant 0 : i32
    %dma_start3A_24 = tpu.memref_slice %arg2[%add3A, %dma_start3A_23] : memref<32x16384xf32, #tpu.memory_space<hbm>> -> memref<1x16384xf32, #tpu.memory_space<hbm>>
    %dma_start3A_25 = tpu.memref_squeeze %dma_start3A_24 : memref<1x16384xf32, #tpu.memory_space<hbm>> -> memref<16384xf32, #tpu.memory_space<hbm>>
    %dma_start3A_26 = arith.constant 8192 : i32
    %dma_start3A_27 = tpu.memref_slice %dma_start3A_25[%dma_start3A_26] : memref<16384xf32, #tpu.memory_space<hbm>> -> memref<8192xf32, #tpu.memory_space<hbm>>
    tpu.enqueue_dma source(%dma_start3A_27 : memref<8192xf32, #tpu.memory_space<hbm>>) target(%dma_start3A_22 : memref<8192xf32, #tpu.memory_space<vmem>>) target_semaphore(%arg6 : memref<!tpu.dma_semaphore, #tpu.memory_space<semaphore_mem>>)
    %dma_wait3A = arith.constant 0 : i32
    %dma_wait3A_28 = tpu.memref_slice %arg4[%dma_wait3A] : memref<16384xf32, #tpu.memory_space<vmem>> -> memref<8192xf32, #tpu.memory_space<vmem>>
    %dma_wait3A_29 = arith.constant 0 : i32
    %dma_wait3A_30 = tpu.memref_slice %arg2[%add3A, %dma_wait3A_29] : memref<32x16384xf32, #tpu.memory_space<hbm>> -> memref<1x16384xf32, #tpu.memory_space<hbm>>
    %dma_wait3A_31 = tpu.memref_squeeze %dma_wait3A_30 : memref<1x16384xf32, #tpu.memory_space<hbm>> -> memref<16384xf32, #tpu.memory_space<hbm>>
    %dma_wait3A_32 = arith.constant 0 : i32
    %dma_wait3A_33 = tpu.memref_slice %dma_wait3A_31[%dma_wait3A_32] : memref<16384xf32, #tpu.memory_space<hbm>> -> memref<8192xf32, #tpu.memory_space<hbm>>
    %dma_wait3A_34 = arith.constant 0 : i32
    %dma_wait3A_35 = tpu.memref_slice %arg4[%dma_wait3A_34] : memref<16384xf32, #tpu.memory_space<vmem>> -> memref<8192xf32, #tpu.memory_space<vmem>>
    %dma_wait3A_36 = arith.constant 0 : i32
    %dma_wait3A_37 = tpu.memref_slice %arg2[%add3A, %dma_wait3A_36] : memref<32x16384xf32, #tpu.memory_space<hbm>> -> memref<1x16384xf32, #tpu.memory_space<hbm>>
    %dma_wait3A_38 = tpu.memref_squeeze %dma_wait3A_37 : memref<1x16384xf32, #tpu.memory_space<hbm>> -> memref<16384xf32, #tpu.memory_space<hbm>>
    %dma_wait3A_39 = arith.constant 0 : i32
    %dma_wait3A_40 = tpu.memref_slice %dma_wait3A_38[%dma_wait3A_39] : memref<16384xf32, #tpu.memory_space<hbm>> -> memref<8192xf32, #tpu.memory_space<hbm>>
    tpu.wait_dma2 semaphore(%arg6 : memref<!tpu.dma_semaphore, #tpu.memory_space<semaphore_mem>>) src(%dma_wait3A_40 : memref<8192xf32, #tpu.memory_space<hbm>>) dst(%dma_wait3A_35 : memref<8192xf32, #tpu.memory_space<vmem>>)
    %scan3A = arith.constant 0 : i32
    %scan3A_41 = arith.constant 0 : i32
    %scan3A_42 = arith.constant 32 : i32
    %scan3A_43 = arith.addi %scan3A_41, %scan3A_42 : i32
    %scan3A_44 = arith.constant 1 : i32
    scf.for %scan3A_122 = %scan3A_41 to %scan3A_43 step %scan3A_44  : i32 {
      %mul3A_123 = arith.constant 256 : i32
      %mul3A_124 = arith.muli %scan3A_122, %mul3A_123 : i32
      %add3A_125 = arith.constant 0 : i32
      %add3A_126 = arith.addi %add3A_125, %mul3A_124 : i32
      %add3A_127 = arith.constant 0 : i32
      %add3A_128 = arith.addi %add3A_126, %add3A_127 : i32
      %get3A = arith.index_cast %add3A_128 : i32 to index
      %get3A_129 = tpu.vector_load %arg4[%get3A] {strides = array<i32>} : memref<16384xf32, #tpu.memory_space<vmem>>, vector<16xf32>,
      %get3A_130 = vector.shape_cast %get3A_129 : vector<16xf32> to vector<16xf32>
      %max3A = arith.constant 9.99999997E-7 : f32
      %max3A_131 = vector.broadcast %max3A : f32 to vector<16xf32>
      %max3A_132 = arith.maximumf %get3A_130, %max3A_131 : vector<16xf32>
      %min3A = arith.constant 0.999998986 : f32
      %min3A_133 = vector.broadcast %min3A : f32 to vector<16xf32>
      %min3A_134 = arith.minimumf %max3A_132, %min3A_133 : vector<16xf32>
      %mul3A_135 = arith.constant 2.560000e+02 : f32
      %mul3A_136 = vector.broadcast %mul3A_135 : f32 to vector<16xf32>
      %mul3A_137 = arith.mulf %min3A_134, %mul3A_136 : vector<16xf32>
      %convert_element_type3A = arith.fptosi %mul3A_137 : vector<16xf32> to vector<16xi32>
      %swap3A = arith.index_cast %add3A_128 : i32 to index
      %swap3A_138 = tpu.vector_load %arg5[%swap3A] {strides = array<i32>} : memref<16384xi32, #tpu.memory_space<vmem>>, vector<16xi32>,
      %swap3A_139 = vector.shape_cast %swap3A_138 : vector<16xi32> to vector<16xi32>
      %swap3A_140 = vector.shape_cast %convert_element_type3A : vector<16xi32> to vector<16xi32>
      tpu.vector_store %arg5[%swap3A], %swap3A_140 {strides = array<i32>} : memref<16384xi32, #tpu.memory_space<vmem>>, vector<16xi32>,
      %add3A_141 = arith.constant 16 : i32
      %add3A_142 = arith.addi %add3A_126, %add3A_141 : i32
      %get3A_143 = arith.index_cast %add3A_142 : i32 to index
      %get3A_144 = tpu.vector_load %arg4[%get3A_143] {strides = array<i32>} : memref<16384xf32, #tpu.memory_space<vmem>>, vector<16xf32>,
      %get3A_145 = vector.shape_cast %get3A_144 : vector<16xf32> to vector<16xf32>
      %max3A_146 = arith.constant 9.99999997E-7 : f32
      %max3A_147 = vector.broadcast %max3A_146 : f32 to vector<16xf32>
      %max3A_148 = arith.maximumf %get3A_145, %max3A_147 : vector<16xf32>
      %min3A_149 = arith.constant 0.999998986 : f32
      %min3A_150 = vector.broadcast %min3A_149 : f32 to vector<16xf32>
      %min3A_151 = arith.minimumf %max3A_148, %min3A_150 : vector<16xf32>
      %mul3A_152 = arith.constant 2.560000e+02 : f32
      %mul3A_153 = vector.broadcast %mul3A_152 : f32 to vector<16xf32>
      %mul3A_154 = arith.mulf %min3A_151, %mul3A_153 : vector<16xf32>
      %convert_element_type3A_155 = arith.fptosi %mul3A_154 : vector<16xf32> to vector<16xi32>
      %swap3A_156 = arith.index_cast %add3A_142 : i32 to index
      %swap3A_157 = tpu.vector_load %arg5[%swap3A_156] {strides = array<i32>} : memref<16384xi32, #tpu.memory_space<vmem>>, vector<16xi32>,
      %swap3A_158 = vector.shape_cast %swap3A_157 : vector<16xi32> to vector<16xi32>
      %swap3A_159 = vector.shape_cast %convert_element_type3A_155 : vector<16xi32> to vector<16xi32>
      tpu.vector_store %arg5[%swap3A_156], %swap3A_159 {strides = array<i32>} : memref<16384xi32, #tpu.memory_space<vmem>>, vector<16xi32>,
      %add3A_160 = arith.constant 32 : i32
      %add3A_161 = arith.addi %add3A_126, %add3A_160 : i32
      %get3A_162 = arith.index_cast %add3A_161 : i32 to index
      %get3A_163 = tpu.vector_load %arg4[%get3A_162] {strides = array<i32>} : memref<16384xf32, #tpu.memory_space<vmem>>, vector<16xf32>,
      %get3A_164 = vector.shape_cast %get3A_163 : vector<16xf32> to vector<16xf32>
      %max3A_165 = arith.constant 9.99999997E-7 : f32
      %max3A_166 = vector.broadcast %max3A_165 : f32 to vector<16xf32>
      %max3A_167 = arith.maximumf %get3A_164, %max3A_166 : vector<16xf32>
      %min3A_168 = arith.constant 0.999998986 : f32
      %min3A_169 = vector.broadcast %min3A_168 : f32 to vector<16xf32>
      %min3A_170 = arith.minimumf %max3A_167, %min3A_169 : vector<16xf32>
      %mul3A_171 = arith.constant 2.560000e+02 : f32
      %mul3A_172 = vector.broadcast %mul3A_171 : f32 to vector<16xf32>
      %mul3A_173 = arith.mulf %min3A_170, %mul3A_172 : vector<16xf32>
      %convert_element_type3A_174 = arith.fptosi %mul3A_173 : vector<16xf32> to vector<16xi32>
      %swap3A_175 = arith.index_cast %add3A_161 : i32 to index
      %swap3A_176 = tpu.vector_load %arg5[%swap3A_175] {strides = array<i32>} : memref<16384xi32, #tpu.memory_space<vmem>>, vector<16xi32>,
      %swap3A_177 = vector.shape_cast %swap3A_176 : vector<16xi32> to vector<16xi32>
      %swap3A_178 = vector.shape_cast %convert_element_type3A_174 : vector<16xi32> to vector<16xi32>
      tpu.vector_store %arg5[%swap3A_175], %swap3A_178 {strides = array<i32>} : memref<16384xi32, #tpu.memory_space<vmem>>, vector<16xi32>,
      %add3A_179 = arith.constant 48 : i32
      %add3A_180 = arith.addi %add3A_126, %add3A_179 : i32
      %get3A_181 = arith.index_cast %add3A_180 : i32 to index
      %get3A_182 = tpu.vector_load %arg4[%get3A_181] {strides = array<i32>} : memref<16384xf32, #tpu.memory_space<vmem>>, vector<16xf32>,
      %get3A_183 = vector.shape_cast %get3A_182 : vector<16xf32> to vector<16xf32>
      %max3A_184 = arith.constant 9.99999997E-7 : f32
      %max3A_185 = vector.broadcast %max3A_184 : f32 to vector<16xf32>
      %max3A_186 = arith.maximumf %get3A_183, %max3A_185 : vector<16xf32>
      %min3A_187 = arith.constant 0.999998986 : f32
      %min3A_188 = vector.broadcast %min3A_187 : f32 to vector<16xf32>
      %min3A_189 = arith.minimumf %max3A_186, %min3A_188 : vector<16xf32>
      %mul3A_190 = arith.constant 2.560000e+02 : f32
      %mul3A_191 = vector.broadcast %mul3A_190 : f32 to vector<16xf32>
      %mul3A_192 = arith.mulf %min3A_189, %mul3A_191 : vector<16xf32>
      %convert_element_type3A_193 = arith.fptosi %mul3A_192 : vector<16xf32> to vector<16xi32>
      %swap3A_194 = arith.index_cast %add3A_180 : i32 to index
      %swap3A_195 = tpu.vector_load %arg5[%swap3A_194] {strides = array<i32>} : memref<16384xi32, #tpu.memory_space<vmem>>, vector<16xi32>,
      %swap3A_196 = vector.shape_cast %swap3A_195 : vector<16xi32> to vector<16xi32>
      %swap3A_197 = vector.shape_cast %convert_element_type3A_193 : vector<16xi32> to vector<16xi32>
      tpu.vector_store %arg5[%swap3A_194], %swap3A_197 {strides = array<i32>} : memref<16384xi32, #tpu.memory_space<vmem>>, vector<16xi32>,
      %add3A_198 = arith.constant 64 : i32
      %add3A_199 = arith.addi %add3A_126, %add3A_198 : i32
      %get3A_200 = arith.index_cast %add3A_199 : i32 to index
      %get3A_201 = tpu.vector_load %arg4[%get3A_200] {strides = array<i32>} : memref<16384xf32, #tpu.memory_space<vmem>>, vector<16xf32>,
      %get3A_202 = vector.shape_cast %get3A_201 : vector<16xf32> to vector<16xf32>
      %max3A_203 = arith.constant 9.99999997E-7 : f32
      %max3A_204 = vector.broadcast %max3A_203 : f32 to vector<16xf32>
      %max3A_205 = arith.maximumf %get3A_202, %max3A_204 : vector<16xf32>
      %min3A_206 = arith.constant 0.999998986 : f32
      %min3A_207 = vector.broadcast %min3A_206 : f32 to vector<16xf32>
      %min3A_208 = arith.minimumf %max3A_205, %min3A_207 : vector<16xf32>
      %mul3A_209 = arith.constant 2.560000e+02 : f32
      %mul3A_210 = vector.broadcast %mul3A_209 : f32 to vector<16xf32>
      %mul3A_211 = arith.mulf %min3A_208, %mul3A_210 : vector<16xf32>
      %convert_element_type3A_212 = arith.fptosi %mul3A_211 : vector<16xf32> to vector<16xi32>
      %swap3A_213 = arith.index_cast %add3A_199 : i32 to index
      %swap3A_214 = tpu.vector_load %arg5[%swap3A_213] {strides = array<i32>} : memref<16384xi32, #tpu.memory_space<vmem>>, vector<16xi32>,
      %swap3A_215 = vector.shape_cast %swap3A_214 : vector<16xi32> to vector<16xi32>
      %swap3A_216 = vector.shape_cast %convert_element_type3A_212 : vector<16xi32> to vector<16xi32>
      tpu.vector_store %arg5[%swap3A_213], %swap3A_216 {strides = array<i32>} : memref<16384xi32, #tpu.memory_space<vmem>>, vector<16xi32>,
      %add3A_217 = arith.constant 80 : i32
      %add3A_218 = arith.addi %add3A_126, %add3A_217 : i32
      %get3A_219 = arith.index_cast %add3A_218 : i32 to index
      %get3A_220 = tpu.vector_load %arg4[%get3A_219] {strides = array<i32>} : memref<16384xf32, #tpu.memory_space<vmem>>, vector<16xf32>,
      %get3A_221 = vector.shape_cast %get3A_220 : vector<16xf32> to vector<16xf32>
      %max3A_222 = arith.constant 9.99999997E-7 : f32
      %max3A_223 = vector.broadcast %max3A_222 : f32 to vector<16xf32>
      %max3A_224 = arith.maximumf %get3A_221, %max3A_223 : vector<16xf32>
      %min3A_225 = arith.constant 0.999998986 : f32
      %min3A_226 = vector.broadcast %min3A_225 : f32 to vector<16xf32>
      %min3A_227 = arith.minimumf %max3A_224, %min3A_226 : vector<16xf32>
      %mul3A_228 = arith.constant 2.560000e+02 : f32
      %mul3A_229 = vector.broadcast %mul3A_228 : f32 to vector<16xf32>
      %mul3A_230 = arith.mulf %min3A_227, %mul3A_229 : vector<16xf32>
      %convert_element_type3A_231 = arith.fptosi %mul3A_230 : vector<16xf32> to vector<16xi32>
      %swap3A_232 = arith.index_cast %add3A_218 : i32 to index
      %swap3A_233 = tpu.vector_load %arg5[%swap3A_232] {strides = array<i32>} : memref<16384xi32, #tpu.memory_space<vmem>>, vector<16xi32>,
      %swap3A_234 = vector.shape_cast %swap3A_233 : vector<16xi32> to vector<16xi32>
      %swap3A_235 = vector.shape_cast %convert_element_type3A_231 : vector<16xi32> to vector<16xi32>
      tpu.vector_store %arg5[%swap3A_232], %swap3A_235 {strides = array<i32>} : memref<16384xi32, #tpu.memory_space<vmem>>, vector<16xi32>,
      %add3A_236 = arith.constant 96 : i32
      %add3A_237 = arith.addi %add3A_126, %add3A_236 : i32
      %get3A_238 = arith.index_cast %add3A_237 : i32 to index
      %get3A_239 = tpu.vector_load %arg4[%get3A_238] {strides = array<i32>} : memref<16384xf32, #tpu.memory_space<vmem>>, vector<16xf32>,
      %get3A_240 = vector.shape_cast %get3A_239 : vector<16xf32> to vector<16xf32>
      %max3A_241 = arith.constant 9.99999997E-7 : f32
      %max3A_242 = vector.broadcast %max3A_241 : f32 to vector<16xf32>
      %max3A_243 = arith.maximumf %get3A_240, %max3A_242 : vector<16xf32>
      %min3A_244 = arith.constant 0.999998986 : f32
      %min3A_245 = vector.broadcast %min3A_244 : f32 to vector<16xf32>
      %min3A_246 = arith.minimumf %max3A_243, %min3A_245 : vector<16xf32>
      %mul3A_247 = arith.constant 2.560000e+02 : f32
      %mul3A_248 = vector.broadcast %mul3A_247 : f32 to vector<16xf32>
      %mul3A_249 = arith.mulf %min3A_246, %mul3A_248 : vector<16xf32>
      %convert_element_type3A_250 = arith.fptosi %mul3A_249 : vector<16xf32> to vector<16xi32>
      %swap3A_251 = arith.index_cast %add3A_237 : i32 to index
      %swap3A_252 = tpu.vector_load %arg5[%swap3A_251] {strides = array<i32>} : memref<16384xi32, #tpu.memory_space<vmem>>, vector<16xi32>,
      %swap3A_253 = vector.shape_cast %swap3A_252 : vector<16xi32> to vector<16xi32>
      %swap3A_254 = vector.shape_cast %convert_element_type3A_250 : vector<16xi32> to vector<16xi32>
      tpu.vector_store %arg5[%swap3A_251], %swap3A_254 {strides = array<i32>} : memref<16384xi32, #tpu.memory_space<vmem>>, vector<16xi32>,
      %add3A_255 = arith.constant 112 : i32
      %add3A_256 = arith.addi %add3A_126, %add3A_255 : i32
      %get3A_257 = arith.index_cast %add3A_256 : i32 to index
      %get3A_258 = tpu.vector_load %arg4[%get3A_257] {strides = array<i32>} : memref<16384xf32, #tpu.memory_space<vmem>>, vector<16xf32>,
      %get3A_259 = vector.shape_cast %get3A_258 : vector<16xf32> to vector<16xf32>
      %max3A_260 = arith.constant 9.99999997E-7 : f32
      %max3A_261 = vector.broadcast %max3A_260 : f32 to vector<16xf32>
      %max3A_262 = arith.maximumf %get3A_259, %max3A_261 : vector<16xf32>
      %min3A_263 = arith.constant 0.999998986 : f32
      %min3A_264 = vector.broadcast %min3A_263 : f32 to vector<16xf32>
      %min3A_265 = arith.minimumf %max3A_262, %min3A_264 : vector<16xf32>
      %mul3A_266 = arith.constant 2.560000e+02 : f32
      %mul3A_267 = vector.broadcast %mul3A_266 : f32 to vector<16xf32>
      %mul3A_268 = arith.mulf %min3A_265, %mul3A_267 : vector<16xf32>
      %convert_element_type3A_269 = arith.fptosi %mul3A_268 : vector<16xf32> to vector<16xi32>
      %swap3A_270 = arith.index_cast %add3A_256 : i32 to index
      %swap3A_271 = tpu.vector_load %arg5[%swap3A_270] {strides = array<i32>} : memref<16384xi32, #tpu.memory_space<vmem>>, vector<16xi32>,
      %swap3A_272 = vector.shape_cast %swap3A_271 : vector<16xi32> to vector<16xi32>
      %swap3A_273 = vector.shape_cast %convert_element_type3A_269 : vector<16xi32> to vector<16xi32>
      tpu.vector_store %arg5[%swap3A_270], %swap3A_273 {strides = array<i32>} : memref<16384xi32, #tpu.memory_space<vmem>>, vector<16xi32>,
      %add3A_274 = arith.constant 128 : i32
      %add3A_275 = arith.addi %add3A_126, %add3A_274 : i32
      %get3A_276 = arith.index_cast %add3A_275 : i32 to index
      %get3A_277 = tpu.vector_load %arg4[%get3A_276] {strides = array<i32>} : memref<16384xf32, #tpu.memory_space<vmem>>, vector<16xf32>,
      %get3A_278 = vector.shape_cast %get3A_277 : vector<16xf32> to vector<16xf32>
      %max3A_279 = arith.constant 9.99999997E-7 : f32
      %max3A_280 = vector.broadcast %max3A_279 : f32 to vector<16xf32>
      %max3A_281 = arith.maximumf %get3A_278, %max3A_280 : vector<16xf32>
      %min3A_282 = arith.constant 0.999998986 : f32
      %min3A_283 = vector.broadcast %min3A_282 : f32 to vector<16xf32>
      %min3A_284 = arith.minimumf %max3A_281, %min3A_283 : vector<16xf32>
      %mul3A_285 = arith.constant 2.560000e+02 : f32
      %mul3A_286 = vector.broadcast %mul3A_285 : f32 to vector<16xf32>
      %mul3A_287 = arith.mulf %min3A_284, %mul3A_286 : vector<16xf32>
      %convert_element_type3A_288 = arith.fptosi %mul3A_287 : vector<16xf32> to vector<16xi32>
      %swap3A_289 = arith.index_cast %add3A_275 : i32 to index
      %swap3A_290 = tpu.vector_load %arg5[%swap3A_289] {strides = array<i32>} : memref<16384xi32, #tpu.memory_space<vmem>>, vector<16xi32>,
      %swap3A_291 = vector.shape_cast %swap3A_290 : vector<16xi32> to vector<16xi32>
      %swap3A_292 = vector.shape_cast %convert_element_type3A_288 : vector<16xi32> to vector<16xi32>
      tpu.vector_store %arg5[%swap3A_289], %swap3A_292 {strides = array<i32>} : memref<16384xi32, #tpu.memory_space<vmem>>, vector<16xi32>,
      %add3A_293 = arith.constant 144 : i32
      %add3A_294 = arith.addi %add3A_126, %add3A_293 : i32
      %get3A_295 = arith.index_cast %add3A_294 : i32 to index
      %get3A_296 = tpu.vector_load %arg4[%get3A_295] {strides = array<i32>} : memref<16384xf32, #tpu.memory_space<vmem>>, vector<16xf32>,
      %get3A_297 = vector.shape_cast %get3A_296 : vector<16xf32> to vector<16xf32>
      %max3A_298 = arith.constant 9.99999997E-7 : f32
      %max3A_299 = vector.broadcast %max3A_298 : f32 to vector<16xf32>
      %max3A_300 = arith.maximumf %get3A_297, %max3A_299 : vector<16xf32>
      %min3A_301 = arith.constant 0.999998986 : f32
      %min3A_302 = vector.broadcast %min3A_301 : f32 to vector<16xf32>
      %min3A_303 = arith.minimumf %max3A_300, %min3A_302 : vector<16xf32>
      %mul3A_304 = arith.constant 2.560000e+02 : f32
      %mul3A_305 = vector.broadcast %mul3A_304 : f32 to vector<16xf32>
      %mul3A_306 = arith.mulf %min3A_303, %mul3A_305 : vector<16xf32>
      %convert_element_type3A_307 = arith.fptosi %mul3A_306 : vector<16xf32> to vector<16xi32>
      %swap3A_308 = arith.index_cast %add3A_294 : i32 to index
      %swap3A_309 = tpu.vector_load %arg5[%swap3A_308] {strides = array<i32>} : memref<16384xi32, #tpu.memory_space<vmem>>, vector<16xi32>,
      %swap3A_310 = vector.shape_cast %swap3A_309 : vector<16xi32> to vector<16xi32>
      %swap3A_311 = vector.shape_cast %convert_element_type3A_307 : vector<16xi32> to vector<16xi32>
      tpu.vector_store %arg5[%swap3A_308], %swap3A_311 {strides = array<i32>} : memref<16384xi32, #tpu.memory_space<vmem>>, vector<16xi32>,
      %add3A_312 = arith.constant 160 : i32
      %add3A_313 = arith.addi %add3A_126, %add3A_312 : i32
      %get3A_314 = arith.index_cast %add3A_313 : i32 to index
      %get3A_315 = tpu.vector_load %arg4[%get3A_314] {strides = array<i32>} : memref<16384xf32, #tpu.memory_space<vmem>>, vector<16xf32>,
      %get3A_316 = vector.shape_cast %get3A_315 : vector<16xf32> to vector<16xf32>
      %max3A_317 = arith.constant 9.99999997E-7 : f32
      %max3A_318 = vector.broadcast %max3A_317 : f32 to vector<16xf32>
      %max3A_319 = arith.maximumf %get3A_316, %max3A_318 : vector<16xf32>
      %min3A_320 = arith.constant 0.999998986 : f32
      %min3A_321 = vector.broadcast %min3A_320 : f32 to vector<16xf32>
      %min3A_322 = arith.minimumf %max3A_319, %min3A_321 : vector<16xf32>
      %mul3A_323 = arith.constant 2.560000e+02 : f32
      %mul3A_324 = vector.broadcast %mul3A_323 : f32 to vector<16xf32>
      %mul3A_325 = arith.mulf %min3A_322, %mul3A_324 : vector<16xf32>
      %convert_element_type3A_326 = arith.fptosi %mul3A_325 : vector<16xf32> to vector<16xi32>
      %swap3A_327 = arith.index_cast %add3A_313 : i32 to index
      %swap3A_328 = tpu.vector_load %arg5[%swap3A_327] {strides = array<i32>} : memref<16384xi32, #tpu.memory_space<vmem>>, vector<16xi32>,
      %swap3A_329 = vector.shape_cast %swap3A_328 : vector<16xi32> to vector<16xi32>
      %swap3A_330 = vector.shape_cast %convert_element_type3A_326 : vector<16xi32> to vector<16xi32>
      tpu.vector_store %arg5[%swap3A_327], %swap3A_330 {strides = array<i32>} : memref<16384xi32, #tpu.memory_space<vmem>>, vector<16xi32>,
      %add3A_331 = arith.constant 176 : i32
      %add3A_332 = arith.addi %add3A_126, %add3A_331 : i32
      %get3A_333 = arith.index_cast %add3A_332 : i32 to index
      %get3A_334 = tpu.vector_load %arg4[%get3A_333] {strides = array<i32>} : memref<16384xf32, #tpu.memory_space<vmem>>, vector<16xf32>,
      %get3A_335 = vector.shape_cast %get3A_334 : vector<16xf32> to vector<16xf32>
      %max3A_336 = arith.constant 9.99999997E-7 : f32
      %max3A_337 = vector.broadcast %max3A_336 : f32 to vector<16xf32>
      %max3A_338 = arith.maximumf %get3A_335, %max3A_337 : vector<16xf32>
      %min3A_339 = arith.constant 0.999998986 : f32
      %min3A_340 = vector.broadcast %min3A_339 : f32 to vector<16xf32>
      %min3A_341 = arith.minimumf %max3A_338, %min3A_340 : vector<16xf32>
      %mul3A_342 = arith.constant 2.560000e+02 : f32
      %mul3A_343 = vector.broadcast %mul3A_342 : f32 to vector<16xf32>
      %mul3A_344 = arith.mulf %min3A_341, %mul3A_343 : vector<16xf32>
      %convert_element_type3A_345 = arith.fptosi %mul3A_344 : vector<16xf32> to vector<16xi32>
      %swap3A_346 = arith.index_cast %add3A_332 : i32 to index
      %swap3A_347 = tpu.vector_load %arg5[%swap3A_346] {strides = array<i32>} : memref<16384xi32, #tpu.memory_space<vmem>>, vector<16xi32>,
      %swap3A_348 = vector.shape_cast %swap3A_347 : vector<16xi32> to vector<16xi32>
      %swap3A_349 = vector.shape_cast %convert_element_type3A_345 : vector<16xi32> to vector<16xi32>
      tpu.vector_store %arg5[%swap3A_346], %swap3A_349 {strides = array<i32>} : memref<16384xi32, #tpu.memory_space<vmem>>, vector<16xi32>,
      %add3A_350 = arith.constant 192 : i32
      %add3A_351 = arith.addi %add3A_126, %add3A_350 : i32
      %get3A_352 = arith.index_cast %add3A_351 : i32 to index
      %get3A_353 = tpu.vector_load %arg4[%get3A_352] {strides = array<i32>} : memref<16384xf32, #tpu.memory_space<vmem>>, vector<16xf32>,
      %get3A_354 = vector.shape_cast %get3A_353 : vector<16xf32> to vector<16xf32>
      %max3A_355 = arith.constant 9.99999997E-7 : f32
      %max3A_356 = vector.broadcast %max3A_355 : f32 to vector<16xf32>
      %max3A_357 = arith.maximumf %get3A_354, %max3A_356 : vector<16xf32>
      %min3A_358 = arith.constant 0.999998986 : f32
      %min3A_359 = vector.broadcast %min3A_358 : f32 to vector<16xf32>
      %min3A_360 = arith.minimumf %max3A_357, %min3A_359 : vector<16xf32>
      %mul3A_361 = arith.constant 2.560000e+02 : f32
      %mul3A_362 = vector.broadcast %mul3A_361 : f32 to vector<16xf32>
      %mul3A_363 = arith.mulf %min3A_360, %mul3A_362 : vector<16xf32>
      %convert_element_type3A_364 = arith.fptosi %mul3A_363 : vector<16xf32> to vector<16xi32>
      %swap3A_365 = arith.index_cast %add3A_351 : i32 to index
      %swap3A_366 = tpu.vector_load %arg5[%swap3A_365] {strides = array<i32>} : memref<16384xi32, #tpu.memory_space<vmem>>, vector<16xi32>,
      %swap3A_367 = vector.shape_cast %swap3A_366 : vector<16xi32> to vector<16xi32>
      %swap3A_368 = vector.shape_cast %convert_element_type3A_364 : vector<16xi32> to vector<16xi32>
      tpu.vector_store %arg5[%swap3A_365], %swap3A_368 {strides = array<i32>} : memref<16384xi32, #tpu.memory_space<vmem>>, vector<16xi32>,
      %add3A_369 = arith.constant 208 : i32
      %add3A_370 = arith.addi %add3A_126, %add3A_369 : i32
      %get3A_371 = arith.index_cast %add3A_370 : i32 to index
      %get3A_372 = tpu.vector_load %arg4[%get3A_371] {strides = array<i32>} : memref<16384xf32, #tpu.memory_space<vmem>>, vector<16xf32>,
      %get3A_373 = vector.shape_cast %get3A_372 : vector<16xf32> to vector<16xf32>
      %max3A_374 = arith.constant 9.99999997E-7 : f32
      %max3A_375 = vector.broadcast %max3A_374 : f32 to vector<16xf32>
      %max3A_376 = arith.maximumf %get3A_373, %max3A_375 : vector<16xf32>
      %min3A_377 = arith.constant 0.999998986 : f32
      %min3A_378 = vector.broadcast %min3A_377 : f32 to vector<16xf32>
      %min3A_379 = arith.minimumf %max3A_376, %min3A_378 : vector<16xf32>
      %mul3A_380 = arith.constant 2.560000e+02 : f32
      %mul3A_381 = vector.broadcast %mul3A_380 : f32 to vector<16xf32>
      %mul3A_382 = arith.mulf %min3A_379, %mul3A_381 : vector<16xf32>
      %convert_element_type3A_383 = arith.fptosi %mul3A_382 : vector<16xf32> to vector<16xi32>
      %swap3A_384 = arith.index_cast %add3A_370 : i32 to index
      %swap3A_385 = tpu.vector_load %arg5[%swap3A_384] {strides = array<i32>} : memref<16384xi32, #tpu.memory_space<vmem>>, vector<16xi32>,
      %swap3A_386 = vector.shape_cast %swap3A_385 : vector<16xi32> to vector<16xi32>
      %swap3A_387 = vector.shape_cast %convert_element_type3A_383 : vector<16xi32> to vector<16xi32>
      tpu.vector_store %arg5[%swap3A_384], %swap3A_387 {strides = array<i32>} : memref<16384xi32, #tpu.memory_space<vmem>>, vector<16xi32>,
      %add3A_388 = arith.constant 224 : i32
      %add3A_389 = arith.addi %add3A_126, %add3A_388 : i32
      %get3A_390 = arith.index_cast %add3A_389 : i32 to index
      %get3A_391 = tpu.vector_load %arg4[%get3A_390] {strides = array<i32>} : memref<16384xf32, #tpu.memory_space<vmem>>, vector<16xf32>,
      %get3A_392 = vector.shape_cast %get3A_391 : vector<16xf32> to vector<16xf32>
      %max3A_393 = arith.constant 9.99999997E-7 : f32
      %max3A_394 = vector.broadcast %max3A_393 : f32 to vector<16xf32>
      %max3A_395 = arith.maximumf %get3A_392, %max3A_394 : vector<16xf32>
      %min3A_396 = arith.constant 0.999998986 : f32
      %min3A_397 = vector.broadcast %min3A_396 : f32 to vector<16xf32>
      %min3A_398 = arith.minimumf %max3A_395, %min3A_397 : vector<16xf32>
      %mul3A_399 = arith.constant 2.560000e+02 : f32
      %mul3A_400 = vector.broadcast %mul3A_399 : f32 to vector<16xf32>
      %mul3A_401 = arith.mulf %min3A_398, %mul3A_400 : vector<16xf32>
      %convert_element_type3A_402 = arith.fptosi %mul3A_401 : vector<16xf32> to vector<16xi32>
      %swap3A_403 = arith.index_cast %add3A_389 : i32 to index
      %swap3A_404 = tpu.vector_load %arg5[%swap3A_403] {strides = array<i32>} : memref<16384xi32, #tpu.memory_space<vmem>>, vector<16xi32>,
      %swap3A_405 = vector.shape_cast %swap3A_404 : vector<16xi32> to vector<16xi32>
      %swap3A_406 = vector.shape_cast %convert_element_type3A_402 : vector<16xi32> to vector<16xi32>
      tpu.vector_store %arg5[%swap3A_403], %swap3A_406 {strides = array<i32>} : memref<16384xi32, #tpu.memory_space<vmem>>, vector<16xi32>,
      %add3A_407 = arith.constant 240 : i32
      %add3A_408 = arith.addi %add3A_126, %add3A_407 : i32
      %get3A_409 = arith.index_cast %add3A_408 : i32 to index
      %get3A_410 = tpu.vector_load %arg4[%get3A_409] {strides = array<i32>} : memref<16384xf32, #tpu.memory_space<vmem>>, vector<16xf32>,
      %get3A_411 = vector.shape_cast %get3A_410 : vector<16xf32> to vector<16xf32>
      %max3A_412 = arith.constant 9.99999997E-7 : f32
      %max3A_413 = vector.broadcast %max3A_412 : f32 to vector<16xf32>
      %max3A_414 = arith.maximumf %get3A_411, %max3A_413 : vector<16xf32>
      %min3A_415 = arith.constant 0.999998986 : f32
      %min3A_416 = vector.broadcast %min3A_415 : f32 to vector<16xf32>
      %min3A_417 = arith.minimumf %max3A_414, %min3A_416 : vector<16xf32>
      %mul3A_418 = arith.constant 2.560000e+02 : f32
      %mul3A_419 = vector.broadcast %mul3A_418 : f32 to vector<16xf32>
      %mul3A_420 = arith.mulf %min3A_417, %mul3A_419 : vector<16xf32>
      %convert_element_type3A_421 = arith.fptosi %mul3A_420 : vector<16xf32> to vector<16xi32>
      %swap3A_422 = arith.index_cast %add3A_408 : i32 to index
      %swap3A_423 = tpu.vector_load %arg5[%swap3A_422] {strides = array<i32>} : memref<16384xi32, #tpu.memory_space<vmem>>, vector<16xi32>,
      %swap3A_424 = vector.shape_cast %swap3A_423 : vector<16xi32> to vector<16xi32>
      %swap3A_425 = vector.shape_cast %convert_element_type3A_421 : vector<16xi32> to vector<16xi32>
      tpu.vector_store %arg5[%swap3A_422], %swap3A_425 {strides = array<i32>} : memref<16384xi32, #tpu.memory_space<vmem>>, vector<16xi32>,
    }
    %scan3A_45 = arith.constant 32 : i32
    %dma_start3A_46 = arith.constant 0 : i32
    %dma_start3A_47 = tpu.memref_slice %arg5[%dma_start3A_46] : memref<16384xi32, #tpu.memory_space<vmem>> -> memref<8192xi32, #tpu.memory_space<vmem>>
    %dma_start3A_48 = arith.constant 0 : i32
    %dma_start3A_49 = tpu.memref_slice %arg3[%add3A, %dma_start3A_48] : memref<32x16384xi32, #tpu.memory_space<hbm>> -> memref<1x16384xi32, #tpu.memory_space<hbm>>
    %dma_start3A_50 = tpu.memref_squeeze %dma_start3A_49 : memref<1x16384xi32, #tpu.memory_space<hbm>> -> memref<16384xi32, #tpu.memory_space<hbm>>
    %dma_start3A_51 = arith.constant 0 : i32
    %dma_start3A_52 = tpu.memref_slice %dma_start3A_50[%dma_start3A_51] : memref<16384xi32, #tpu.memory_space<hbm>> -> memref<8192xi32, #tpu.memory_space<hbm>>
    %dma_start3A_53 = arith.constant 0 : i32
    %dma_start3A_54 = tpu.memref_slice %arg3[%add3A, %dma_start3A_53] : memref<32x16384xi32, #tpu.memory_space<hbm>> -> memref<1x16384xi32, #tpu.memory_space<hbm>>
    %dma_start3A_55 = tpu.memref_squeeze %dma_start3A_54 : memref<1x16384xi32, #tpu.memory_space<hbm>> -> memref<16384xi32, #tpu.memory_space<hbm>>
    %dma_start3A_56 = arith.constant 0 : i32
    %dma_start3A_57 = tpu.memref_slice %dma_start3A_55[%dma_start3A_56] : memref<16384xi32, #tpu.memory_space<hbm>> -> memref<8192xi32, #tpu.memory_space<hbm>>
    %dma_start3A_58 = arith.constant 0 : i32
    %dma_start3A_59 = tpu.memref_slice %arg5[%dma_start3A_58] : memref<16384xi32, #tpu.memory_space<vmem>> -> memref<8192xi32, #tpu.memory_space<vmem>>
    tpu.enqueue_dma source(%dma_start3A_59 : memref<8192xi32, #tpu.memory_space<vmem>>) target(%dma_start3A_57 : memref<8192xi32, #tpu.memory_space<hbm>>) target_semaphore(%arg7 : memref<!tpu.dma_semaphore, #tpu.memory_space<semaphore_mem>>)
    %dma_wait3A_60 = arith.constant 8192 : i32
    %dma_wait3A_61 = tpu.memref_slice %arg4[%dma_wait3A_60] : memref<16384xf32, #tpu.memory_space<vmem>> -> memref<8192xf32, #tpu.memory_space<vmem>>
    %dma_wait3A_62 = arith.constant 0 : i32
    %dma_wait3A_63 = tpu.memref_slice %arg2[%add3A, %dma_wait3A_62] : memref<32x16384xf32, #tpu.memory_space<hbm>> -> memref<1x16384xf32, #tpu.memory_space<hbm>>
    %dma_wait3A_64 = tpu.memref_squeeze %dma_wait3A_63 : memref<1x16384xf32, #tpu.memory_space<hbm>> -> memref<16384xf32, #tpu.memory_space<hbm>>
    %dma_wait3A_65 = arith.constant 8192 : i32
    %dma_wait3A_66 = tpu.memref_slice %dma_wait3A_64[%dma_wait3A_65] : memref<16384xf32, #tpu.memory_space<hbm>> -> memref<8192xf32, #tpu.memory_space<hbm>>
    %dma_wait3A_67 = arith.constant 8192 : i32
    %dma_wait3A_68 = tpu.memref_slice %arg4[%dma_wait3A_67] : memref<16384xf32, #tpu.memory_space<vmem>> -> memref<8192xf32, #tpu.memory_space<vmem>>
    %dma_wait3A_69 = arith.constant 0 : i32
    %dma_wait3A_70 = tpu.memref_slice %arg2[%add3A, %dma_wait3A_69] : memref<32x16384xf32, #tpu.memory_space<hbm>> -> memref<1x16384xf32, #tpu.memory_space<hbm>>
    %dma_wait3A_71 = tpu.memref_squeeze %dma_wait3A_70 : memref<1x16384xf32, #tpu.memory_space<hbm>> -> memref<16384xf32, #tpu.memory_space<hbm>>
    %dma_wait3A_72 = arith.constant 8192 : i32
    %dma_wait3A_73 = tpu.memref_slice %dma_wait3A_71[%dma_wait3A_72] : memref<16384xf32, #tpu.memory_space<hbm>> -> memref<8192xf32, #tpu.memory_space<hbm>>
    tpu.wait_dma2 semaphore(%arg6 : memref<!tpu.dma_semaphore, #tpu.memory_space<semaphore_mem>>) src(%dma_wait3A_73 : memref<8192xf32, #tpu.memory_space<hbm>>) dst(%dma_wait3A_68 : memref<8192xf32, #tpu.memory_space<vmem>>)
    %scan3A_74 = arith.constant 0 : i32
    %scan3A_75 = arith.constant 0 : i32
    %scan3A_76 = arith.constant 32 : i32
    %scan3A_77 = arith.addi %scan3A_75, %scan3A_76 : i32
    %scan3A_78 = arith.constant 1 : i32
    scf.for %scan3A_122 = %scan3A_75 to %scan3A_77 step %scan3A_78  : i32 {
      %mul3A_123 = arith.constant 256 : i32
      %mul3A_124 = arith.muli %scan3A_122, %mul3A_123 : i32
      %add3A_125 = arith.constant 8192 : i32
      %add3A_126 = arith.addi %add3A_125, %mul3A_124 : i32
      %add3A_127 = arith.constant 0 : i32
      %add3A_128 = arith.addi %add3A_126, %add3A_127 : i32
      %get3A = arith.index_cast %add3A_128 : i32 to index
      %get3A_129 = tpu.vector_load %arg4[%get3A] {strides = array<i32>} : memref<16384xf32, #tpu.memory_space<vmem>>, vector<16xf32>,
      %get3A_130 = vector.shape_cast %get3A_129 : vector<16xf32> to vector<16xf32>
      %max3A = arith.constant 9.99999997E-7 : f32
      %max3A_131 = vector.broadcast %max3A : f32 to vector<16xf32>
      %max3A_132 = arith.maximumf %get3A_130, %max3A_131 : vector<16xf32>
      %min3A = arith.constant 0.999998986 : f32
      %min3A_133 = vector.broadcast %min3A : f32 to vector<16xf32>
      %min3A_134 = arith.minimumf %max3A_132, %min3A_133 : vector<16xf32>
      %mul3A_135 = arith.constant 2.560000e+02 : f32
      %mul3A_136 = vector.broadcast %mul3A_135 : f32 to vector<16xf32>
      %mul3A_137 = arith.mulf %min3A_134, %mul3A_136 : vector<16xf32>
      %convert_element_type3A = arith.fptosi %mul3A_137 : vector<16xf32> to vector<16xi32>
      %swap3A = arith.index_cast %add3A_128 : i32 to index
      %swap3A_138 = tpu.vector_load %arg5[%swap3A] {strides = array<i32>} : memref<16384xi32, #tpu.memory_space<vmem>>, vector<16xi32>,
      %swap3A_139 = vector.shape_cast %swap3A_138 : vector<16xi32> to vector<16xi32>
      %swap3A_140 = vector.shape_cast %convert_element_type3A : vector<16xi32> to vector<16xi32>
      tpu.vector_store %arg5[%swap3A], %swap3A_140 {strides = array<i32>} : memref<16384xi32, #tpu.memory_space<vmem>>, vector<16xi32>,
      %add3A_141 = arith.constant 16 : i32
      %add3A_142 = arith.addi %add3A_126, %add3A_141 : i32
      %get3A_143 = arith.index_cast %add3A_142 : i32 to index
      %get3A_144 = tpu.vector_load %arg4[%get3A_143] {strides = array<i32>} : memref<16384xf32, #tpu.memory_space<vmem>>, vector<16xf32>,
      %get3A_145 = vector.shape_cast %get3A_144 : vector<16xf32> to vector<16xf32>
      %max3A_146 = arith.constant 9.99999997E-7 : f32
      %max3A_147 = vector.broadcast %max3A_146 : f32 to vector<16xf32>
      %max3A_148 = arith.maximumf %get3A_145, %max3A_147 : vector<16xf32>
      %min3A_149 = arith.constant 0.999998986 : f32
      %min3A_150 = vector.broadcast %min3A_149 : f32 to vector<16xf32>
      %min3A_151 = arith.minimumf %max3A_148, %min3A_150 : vector<16xf32>
      %mul3A_152 = arith.constant 2.560000e+02 : f32
      %mul3A_153 = vector.broadcast %mul3A_152 : f32 to vector<16xf32>
      %mul3A_154 = arith.mulf %min3A_151, %mul3A_153 : vector<16xf32>
      %convert_element_type3A_155 = arith.fptosi %mul3A_154 : vector<16xf32> to vector<16xi32>
      %swap3A_156 = arith.index_cast %add3A_142 : i32 to index
      %swap3A_157 = tpu.vector_load %arg5[%swap3A_156] {strides = array<i32>} : memref<16384xi32, #tpu.memory_space<vmem>>, vector<16xi32>,
      %swap3A_158 = vector.shape_cast %swap3A_157 : vector<16xi32> to vector<16xi32>
      %swap3A_159 = vector.shape_cast %convert_element_type3A_155 : vector<16xi32> to vector<16xi32>
      tpu.vector_store %arg5[%swap3A_156], %swap3A_159 {strides = array<i32>} : memref<16384xi32, #tpu.memory_space<vmem>>, vector<16xi32>,
      %add3A_160 = arith.constant 32 : i32
      %add3A_161 = arith.addi %add3A_126, %add3A_160 : i32
      %get3A_162 = arith.index_cast %add3A_161 : i32 to index
      %get3A_163 = tpu.vector_load %arg4[%get3A_162] {strides = array<i32>} : memref<16384xf32, #tpu.memory_space<vmem>>, vector<16xf32>,
      %get3A_164 = vector.shape_cast %get3A_163 : vector<16xf32> to vector<16xf32>
      %max3A_165 = arith.constant 9.99999997E-7 : f32
      %max3A_166 = vector.broadcast %max3A_165 : f32 to vector<16xf32>
      %max3A_167 = arith.maximumf %get3A_164, %max3A_166 : vector<16xf32>
      %min3A_168 = arith.constant 0.999998986 : f32
      %min3A_169 = vector.broadcast %min3A_168 : f32 to vector<16xf32>
      %min3A_170 = arith.minimumf %max3A_167, %min3A_169 : vector<16xf32>
      %mul3A_171 = arith.constant 2.560000e+02 : f32
      %mul3A_172 = vector.broadcast %mul3A_171 : f32 to vector<16xf32>
      %mul3A_173 = arith.mulf %min3A_170, %mul3A_172 : vector<16xf32>
      %convert_element_type3A_174 = arith.fptosi %mul3A_173 : vector<16xf32> to vector<16xi32>
      %swap3A_175 = arith.index_cast %add3A_161 : i32 to index
      %swap3A_176 = tpu.vector_load %arg5[%swap3A_175] {strides = array<i32>} : memref<16384xi32, #tpu.memory_space<vmem>>, vector<16xi32>,
      %swap3A_177 = vector.shape_cast %swap3A_176 : vector<16xi32> to vector<16xi32>
      %swap3A_178 = vector.shape_cast %convert_element_type3A_174 : vector<16xi32> to vector<16xi32>
      tpu.vector_store %arg5[%swap3A_175], %swap3A_178 {strides = array<i32>} : memref<16384xi32, #tpu.memory_space<vmem>>, vector<16xi32>,
      %add3A_179 = arith.constant 48 : i32
      %add3A_180 = arith.addi %add3A_126, %add3A_179 : i32
      %get3A_181 = arith.index_cast %add3A_180 : i32 to index
      %get3A_182 = tpu.vector_load %arg4[%get3A_181] {strides = array<i32>} : memref<16384xf32, #tpu.memory_space<vmem>>, vector<16xf32>,
      %get3A_183 = vector.shape_cast %get3A_182 : vector<16xf32> to vector<16xf32>
      %max3A_184 = arith.constant 9.99999997E-7 : f32
      %max3A_185 = vector.broadcast %max3A_184 : f32 to vector<16xf32>
      %max3A_186 = arith.maximumf %get3A_183, %max3A_185 : vector<16xf32>
      %min3A_187 = arith.constant 0.999998986 : f32
      %min3A_188 = vector.broadcast %min3A_187 : f32 to vector<16xf32>
      %min3A_189 = arith.minimumf %max3A_186, %min3A_188 : vector<16xf32>
      %mul3A_190 = arith.constant 2.560000e+02 : f32
      %mul3A_191 = vector.broadcast %mul3A_190 : f32 to vector<16xf32>
      %mul3A_192 = arith.mulf %min3A_189, %mul3A_191 : vector<16xf32>
      %convert_element_type3A_193 = arith.fptosi %mul3A_192 : vector<16xf32> to vector<16xi32>
      %swap3A_194 = arith.index_cast %add3A_180 : i32 to index
      %swap3A_195 = tpu.vector_load %arg5[%swap3A_194] {strides = array<i32>} : memref<16384xi32, #tpu.memory_space<vmem>>, vector<16xi32>,
      %swap3A_196 = vector.shape_cast %swap3A_195 : vector<16xi32> to vector<16xi32>
      %swap3A_197 = vector.shape_cast %convert_element_type3A_193 : vector<16xi32> to vector<16xi32>
      tpu.vector_store %arg5[%swap3A_194], %swap3A_197 {strides = array<i32>} : memref<16384xi32, #tpu.memory_space<vmem>>, vector<16xi32>,
      %add3A_198 = arith.constant 64 : i32
      %add3A_199 = arith.addi %add3A_126, %add3A_198 : i32
      %get3A_200 = arith.index_cast %add3A_199 : i32 to index
      %get3A_201 = tpu.vector_load %arg4[%get3A_200] {strides = array<i32>} : memref<16384xf32, #tpu.memory_space<vmem>>, vector<16xf32>,
      %get3A_202 = vector.shape_cast %get3A_201 : vector<16xf32> to vector<16xf32>
      %max3A_203 = arith.constant 9.99999997E-7 : f32
      %max3A_204 = vector.broadcast %max3A_203 : f32 to vector<16xf32>
      %max3A_205 = arith.maximumf %get3A_202, %max3A_204 : vector<16xf32>
      %min3A_206 = arith.constant 0.999998986 : f32
      %min3A_207 = vector.broadcast %min3A_206 : f32 to vector<16xf32>
      %min3A_208 = arith.minimumf %max3A_205, %min3A_207 : vector<16xf32>
      %mul3A_209 = arith.constant 2.560000e+02 : f32
      %mul3A_210 = vector.broadcast %mul3A_209 : f32 to vector<16xf32>
      %mul3A_211 = arith.mulf %min3A_208, %mul3A_210 : vector<16xf32>
      %convert_element_type3A_212 = arith.fptosi %mul3A_211 : vector<16xf32> to vector<16xi32>
      %swap3A_213 = arith.index_cast %add3A_199 : i32 to index
      %swap3A_214 = tpu.vector_load %arg5[%swap3A_213] {strides = array<i32>} : memref<16384xi32, #tpu.memory_space<vmem>>, vector<16xi32>,
      %swap3A_215 = vector.shape_cast %swap3A_214 : vector<16xi32> to vector<16xi32>
      %swap3A_216 = vector.shape_cast %convert_element_type3A_212 : vector<16xi32> to vector<16xi32>
      tpu.vector_store %arg5[%swap3A_213], %swap3A_216 {strides = array<i32>} : memref<16384xi32, #tpu.memory_space<vmem>>, vector<16xi32>,
      %add3A_217 = arith.constant 80 : i32
      %add3A_218 = arith.addi %add3A_126, %add3A_217 : i32
      %get3A_219 = arith.index_cast %add3A_218 : i32 to index
      %get3A_220 = tpu.vector_load %arg4[%get3A_219] {strides = array<i32>} : memref<16384xf32, #tpu.memory_space<vmem>>, vector<16xf32>,
      %get3A_221 = vector.shape_cast %get3A_220 : vector<16xf32> to vector<16xf32>
      %max3A_222 = arith.constant 9.99999997E-7 : f32
      %max3A_223 = vector.broadcast %max3A_222 : f32 to vector<16xf32>
      %max3A_224 = arith.maximumf %get3A_221, %max3A_223 : vector<16xf32>
      %min3A_225 = arith.constant 0.999998986 : f32
      %min3A_226 = vector.broadcast %min3A_225 : f32 to vector<16xf32>
      %min3A_227 = arith.minimumf %max3A_224, %min3A_226 : vector<16xf32>
      %mul3A_228 = arith.constant 2.560000e+02 : f32
      %mul3A_229 = vector.broadcast %mul3A_228 : f32 to vector<16xf32>
      %mul3A_230 = arith.mulf %min3A_227, %mul3A_229 : vector<16xf32>
      %convert_element_type3A_231 = arith.fptosi %mul3A_230 : vector<16xf32> to vector<16xi32>
      %swap3A_232 = arith.index_cast %add3A_218 : i32 to index
      %swap3A_233 = tpu.vector_load %arg5[%swap3A_232] {strides = array<i32>} : memref<16384xi32, #tpu.memory_space<vmem>>, vector<16xi32>,
      %swap3A_234 = vector.shape_cast %swap3A_233 : vector<16xi32> to vector<16xi32>
      %swap3A_235 = vector.shape_cast %convert_element_type3A_231 : vector<16xi32> to vector<16xi32>
      tpu.vector_store %arg5[%swap3A_232], %swap3A_235 {strides = array<i32>} : memref<16384xi32, #tpu.memory_space<vmem>>, vector<16xi32>,
      %add3A_236 = arith.constant 96 : i32
      %add3A_237 = arith.addi %add3A_126, %add3A_236 : i32
      %get3A_238 = arith.index_cast %add3A_237 : i32 to index
      %get3A_239 = tpu.vector_load %arg4[%get3A_238] {strides = array<i32>} : memref<16384xf32, #tpu.memory_space<vmem>>, vector<16xf32>,
      %get3A_240 = vector.shape_cast %get3A_239 : vector<16xf32> to vector<16xf32>
      %max3A_241 = arith.constant 9.99999997E-7 : f32
      %max3A_242 = vector.broadcast %max3A_241 : f32 to vector<16xf32>
      %max3A_243 = arith.maximumf %get3A_240, %max3A_242 : vector<16xf32>
      %min3A_244 = arith.constant 0.999998986 : f32
      %min3A_245 = vector.broadcast %min3A_244 : f32 to vector<16xf32>
      %min3A_246 = arith.minimumf %max3A_243, %min3A_245 : vector<16xf32>
      %mul3A_247 = arith.constant 2.560000e+02 : f32
      %mul3A_248 = vector.broadcast %mul3A_247 : f32 to vector<16xf32>
      %mul3A_249 = arith.mulf %min3A_246, %mul3A_248 : vector<16xf32>
      %convert_element_type3A_250 = arith.fptosi %mul3A_249 : vector<16xf32> to vector<16xi32>
      %swap3A_251 = arith.index_cast %add3A_237 : i32 to index
      %swap3A_252 = tpu.vector_load %arg5[%swap3A_251] {strides = array<i32>} : memref<16384xi32, #tpu.memory_space<vmem>>, vector<16xi32>,
      %swap3A_253 = vector.shape_cast %swap3A_252 : vector<16xi32> to vector<16xi32>
      %swap3A_254 = vector.shape_cast %convert_element_type3A_250 : vector<16xi32> to vector<16xi32>
      tpu.vector_store %arg5[%swap3A_251], %swap3A_254 {strides = array<i32>} : memref<16384xi32, #tpu.memory_space<vmem>>, vector<16xi32>,
      %add3A_255 = arith.constant 112 : i32
      %add3A_256 = arith.addi %add3A_126, %add3A_255 : i32
      %get3A_257 = arith.index_cast %add3A_256 : i32 to index
      %get3A_258 = tpu.vector_load %arg4[%get3A_257] {strides = array<i32>} : memref<16384xf32, #tpu.memory_space<vmem>>, vector<16xf32>,
      %get3A_259 = vector.shape_cast %get3A_258 : vector<16xf32> to vector<16xf32>
      %max3A_260 = arith.constant 9.99999997E-7 : f32
      %max3A_261 = vector.broadcast %max3A_260 : f32 to vector<16xf32>
      %max3A_262 = arith.maximumf %get3A_259, %max3A_261 : vector<16xf32>
      %min3A_263 = arith.constant 0.999998986 : f32
      %min3A_264 = vector.broadcast %min3A_263 : f32 to vector<16xf32>
      %min3A_265 = arith.minimumf %max3A_262, %min3A_264 : vector<16xf32>
      %mul3A_266 = arith.constant 2.560000e+02 : f32
      %mul3A_267 = vector.broadcast %mul3A_266 : f32 to vector<16xf32>
      %mul3A_268 = arith.mulf %min3A_265, %mul3A_267 : vector<16xf32>
      %convert_element_type3A_269 = arith.fptosi %mul3A_268 : vector<16xf32> to vector<16xi32>
      %swap3A_270 = arith.index_cast %add3A_256 : i32 to index
      %swap3A_271 = tpu.vector_load %arg5[%swap3A_270] {strides = array<i32>} : memref<16384xi32, #tpu.memory_space<vmem>>, vector<16xi32>,
      %swap3A_272 = vector.shape_cast %swap3A_271 : vector<16xi32> to vector<16xi32>
      %swap3A_273 = vector.shape_cast %convert_element_type3A_269 : vector<16xi32> to vector<16xi32>
      tpu.vector_store %arg5[%swap3A_270], %swap3A_273 {strides = array<i32>} : memref<16384xi32, #tpu.memory_space<vmem>>, vector<16xi32>,
      %add3A_274 = arith.constant 128 : i32
      %add3A_275 = arith.addi %add3A_126, %add3A_274 : i32
      %get3A_276 = arith.index_cast %add3A_275 : i32 to index
      %get3A_277 = tpu.vector_load %arg4[%get3A_276] {strides = array<i32>} : memref<16384xf32, #tpu.memory_space<vmem>>, vector<16xf32>,
      %get3A_278 = vector.shape_cast %get3A_277 : vector<16xf32> to vector<16xf32>
      %max3A_279 = arith.constant 9.99999997E-7 : f32
      %max3A_280 = vector.broadcast %max3A_279 : f32 to vector<16xf32>
      %max3A_281 = arith.maximumf %get3A_278, %max3A_280 : vector<16xf32>
      %min3A_282 = arith.constant 0.999998986 : f32
      %min3A_283 = vector.broadcast %min3A_282 : f32 to vector<16xf32>
      %min3A_284 = arith.minimumf %max3A_281, %min3A_283 : vector<16xf32>
      %mul3A_285 = arith.constant 2.560000e+02 : f32
      %mul3A_286 = vector.broadcast %mul3A_285 : f32 to vector<16xf32>
      %mul3A_287 = arith.mulf %min3A_284, %mul3A_286 : vector<16xf32>
      %convert_element_type3A_288 = arith.fptosi %mul3A_287 : vector<16xf32> to vector<16xi32>
      %swap3A_289 = arith.index_cast %add3A_275 : i32 to index
      %swap3A_290 = tpu.vector_load %arg5[%swap3A_289] {strides = array<i32>} : memref<16384xi32, #tpu.memory_space<vmem>>, vector<16xi32>,
      %swap3A_291 = vector.shape_cast %swap3A_290 : vector<16xi32> to vector<16xi32>
      %swap3A_292 = vector.shape_cast %convert_element_type3A_288 : vector<16xi32> to vector<16xi32>
      tpu.vector_store %arg5[%swap3A_289], %swap3A_292 {strides = array<i32>} : memref<16384xi32, #tpu.memory_space<vmem>>, vector<16xi32>,
      %add3A_293 = arith.constant 144 : i32
      %add3A_294 = arith.addi %add3A_126, %add3A_293 : i32
      %get3A_295 = arith.index_cast %add3A_294 : i32 to index
      %get3A_296 = tpu.vector_load %arg4[%get3A_295] {strides = array<i32>} : memref<16384xf32, #tpu.memory_space<vmem>>, vector<16xf32>,
      %get3A_297 = vector.shape_cast %get3A_296 : vector<16xf32> to vector<16xf32>
      %max3A_298 = arith.constant 9.99999997E-7 : f32
      %max3A_299 = vector.broadcast %max3A_298 : f32 to vector<16xf32>
      %max3A_300 = arith.maximumf %get3A_297, %max3A_299 : vector<16xf32>
      %min3A_301 = arith.constant 0.999998986 : f32
      %min3A_302 = vector.broadcast %min3A_301 : f32 to vector<16xf32>
      %min3A_303 = arith.minimumf %max3A_300, %min3A_302 : vector<16xf32>
      %mul3A_304 = arith.constant 2.560000e+02 : f32
      %mul3A_305 = vector.broadcast %mul3A_304 : f32 to vector<16xf32>
      %mul3A_306 = arith.mulf %min3A_303, %mul3A_305 : vector<16xf32>
      %convert_element_type3A_307 = arith.fptosi %mul3A_306 : vector<16xf32> to vector<16xi32>
      %swap3A_308 = arith.index_cast %add3A_294 : i32 to index
      %swap3A_309 = tpu.vector_load %arg5[%swap3A_308] {strides = array<i32>} : memref<16384xi32, #tpu.memory_space<vmem>>, vector<16xi32>,
      %swap3A_310 = vector.shape_cast %swap3A_309 : vector<16xi32> to vector<16xi32>
      %swap3A_311 = vector.shape_cast %convert_element_type3A_307 : vector<16xi32> to vector<16xi32>
      tpu.vector_store %arg5[%swap3A_308], %swap3A_311 {strides = array<i32>} : memref<16384xi32, #tpu.memory_space<vmem>>, vector<16xi32>,
      %add3A_312 = arith.constant 160 : i32
      %add3A_313 = arith.addi %add3A_126, %add3A_312 : i32
      %get3A_314 = arith.index_cast %add3A_313 : i32 to index
      %get3A_315 = tpu.vector_load %arg4[%get3A_314] {strides = array<i32>} : memref<16384xf32, #tpu.memory_space<vmem>>, vector<16xf32>,
      %get3A_316 = vector.shape_cast %get3A_315 : vector<16xf32> to vector<16xf32>
      %max3A_317 = arith.constant 9.99999997E-7 : f32
      %max3A_318 = vector.broadcast %max3A_317 : f32 to vector<16xf32>
      %max3A_319 = arith.maximumf %get3A_316, %max3A_318 : vector<16xf32>
      %min3A_320 = arith.constant 0.999998986 : f32
      %min3A_321 = vector.broadcast %min3A_320 : f32 to vector<16xf32>
      %min3A_322 = arith.minimumf %max3A_319, %min3A_321 : vector<16xf32>
      %mul3A_323 = arith.constant 2.560000e+02 : f32
      %mul3A_324 = vector.broadcast %mul3A_323 : f32 to vector<16xf32>
      %mul3A_325 = arith.mulf %min3A_322, %mul3A_324 : vector<16xf32>
      %convert_element_type3A_326 = arith.fptosi %mul3A_325 : vector<16xf32> to vector<16xi32>
      %swap3A_327 = arith.index_cast %add3A_313 : i32 to index
      %swap3A_328 = tpu.vector_load %arg5[%swap3A_327] {strides = array<i32>} : memref<16384xi32, #tpu.memory_space<vmem>>, vector<16xi32>,
      %swap3A_329 = vector.shape_cast %swap3A_328 : vector<16xi32> to vector<16xi32>
      %swap3A_330 = vector.shape_cast %convert_element_type3A_326 : vector<16xi32> to vector<16xi32>
      tpu.vector_store %arg5[%swap3A_327], %swap3A_330 {strides = array<i32>} : memref<16384xi32, #tpu.memory_space<vmem>>, vector<16xi32>,
      %add3A_331 = arith.constant 176 : i32
      %add3A_332 = arith.addi %add3A_126, %add3A_331 : i32
      %get3A_333 = arith.index_cast %add3A_332 : i32 to index
      %get3A_334 = tpu.vector_load %arg4[%get3A_333] {strides = array<i32>} : memref<16384xf32, #tpu.memory_space<vmem>>, vector<16xf32>,
      %get3A_335 = vector.shape_cast %get3A_334 : vector<16xf32> to vector<16xf32>
      %max3A_336 = arith.constant 9.99999997E-7 : f32
      %max3A_337 = vector.broadcast %max3A_336 : f32 to vector<16xf32>
      %max3A_338 = arith.maximumf %get3A_335, %max3A_337 : vector<16xf32>
      %min3A_339 = arith.constant 0.999998986 : f32
      %min3A_340 = vector.broadcast %min3A_339 : f32 to vector<16xf32>
      %min3A_341 = arith.minimumf %max3A_338, %min3A_340 : vector<16xf32>
      %mul3A_342 = arith.constant 2.560000e+02 : f32
      %mul3A_343 = vector.broadcast %mul3A_342 : f32 to vector<16xf32>
      %mul3A_344 = arith.mulf %min3A_341, %mul3A_343 : vector<16xf32>
      %convert_element_type3A_345 = arith.fptosi %mul3A_344 : vector<16xf32> to vector<16xi32>
      %swap3A_346 = arith.index_cast %add3A_332 : i32 to index
      %swap3A_347 = tpu.vector_load %arg5[%swap3A_346] {strides = array<i32>} : memref<16384xi32, #tpu.memory_space<vmem>>, vector<16xi32>,
      %swap3A_348 = vector.shape_cast %swap3A_347 : vector<16xi32> to vector<16xi32>
      %swap3A_349 = vector.shape_cast %convert_element_type3A_345 : vector<16xi32> to vector<16xi32>
      tpu.vector_store %arg5[%swap3A_346], %swap3A_349 {strides = array<i32>} : memref<16384xi32, #tpu.memory_space<vmem>>, vector<16xi32>,
      %add3A_350 = arith.constant 192 : i32
      %add3A_351 = arith.addi %add3A_126, %add3A_350 : i32
      %get3A_352 = arith.index_cast %add3A_351 : i32 to index
      %get3A_353 = tpu.vector_load %arg4[%get3A_352] {strides = array<i32>} : memref<16384xf32, #tpu.memory_space<vmem>>, vector<16xf32>,
      %get3A_354 = vector.shape_cast %get3A_353 : vector<16xf32> to vector<16xf32>
      %max3A_355 = arith.constant 9.99999997E-7 : f32
      %max3A_356 = vector.broadcast %max3A_355 : f32 to vector<16xf32>
      %max3A_357 = arith.maximumf %get3A_354, %max3A_356 : vector<16xf32>
      %min3A_358 = arith.constant 0.999998986 : f32
      %min3A_359 = vector.broadcast %min3A_358 : f32 to vector<16xf32>
      %min3A_360 = arith.minimumf %max3A_357, %min3A_359 : vector<16xf32>
      %mul3A_361 = arith.constant 2.560000e+02 : f32
      %mul3A_362 = vector.broadcast %mul3A_361 : f32 to vector<16xf32>
      %mul3A_363 = arith.mulf %min3A_360, %mul3A_362 : vector<16xf32>
      %convert_element_type3A_364 = arith.fptosi %mul3A_363 : vector<16xf32> to vector<16xi32>
      %swap3A_365 = arith.index_cast %add3A_351 : i32 to index
      %swap3A_366 = tpu.vector_load %arg5[%swap3A_365] {strides = array<i32>} : memref<16384xi32, #tpu.memory_space<vmem>>, vector<16xi32>,
      %swap3A_367 = vector.shape_cast %swap3A_366 : vector<16xi32> to vector<16xi32>
      %swap3A_368 = vector.shape_cast %convert_element_type3A_364 : vector<16xi32> to vector<16xi32>
      tpu.vector_store %arg5[%swap3A_365], %swap3A_368 {strides = array<i32>} : memref<16384xi32, #tpu.memory_space<vmem>>, vector<16xi32>,
      %add3A_369 = arith.constant 208 : i32
      %add3A_370 = arith.addi %add3A_126, %add3A_369 : i32
      %get3A_371 = arith.index_cast %add3A_370 : i32 to index
      %get3A_372 = tpu.vector_load %arg4[%get3A_371] {strides = array<i32>} : memref<16384xf32, #tpu.memory_space<vmem>>, vector<16xf32>,
      %get3A_373 = vector.shape_cast %get3A_372 : vector<16xf32> to vector<16xf32>
      %max3A_374 = arith.constant 9.99999997E-7 : f32
      %max3A_375 = vector.broadcast %max3A_374 : f32 to vector<16xf32>
      %max3A_376 = arith.maximumf %get3A_373, %max3A_375 : vector<16xf32>
      %min3A_377 = arith.constant 0.999998986 : f32
      %min3A_378 = vector.broadcast %min3A_377 : f32 to vector<16xf32>
      %min3A_379 = arith.minimumf %max3A_376, %min3A_378 : vector<16xf32>
      %mul3A_380 = arith.constant 2.560000e+02 : f32
      %mul3A_381 = vector.broadcast %mul3A_380 : f32 to vector<16xf32>
      %mul3A_382 = arith.mulf %min3A_379, %mul3A_381 : vector<16xf32>
      %convert_element_type3A_383 = arith.fptosi %mul3A_382 : vector<16xf32> to vector<16xi32>
      %swap3A_384 = arith.index_cast %add3A_370 : i32 to index
      %swap3A_385 = tpu.vector_load %arg5[%swap3A_384] {strides = array<i32>} : memref<16384xi32, #tpu.memory_space<vmem>>, vector<16xi32>,
      %swap3A_386 = vector.shape_cast %swap3A_385 : vector<16xi32> to vector<16xi32>
      %swap3A_387 = vector.shape_cast %convert_element_type3A_383 : vector<16xi32> to vector<16xi32>
      tpu.vector_store %arg5[%swap3A_384], %swap3A_387 {strides = array<i32>} : memref<16384xi32, #tpu.memory_space<vmem>>, vector<16xi32>,
      %add3A_388 = arith.constant 224 : i32
      %add3A_389 = arith.addi %add3A_126, %add3A_388 : i32
      %get3A_390 = arith.index_cast %add3A_389 : i32 to index
      %get3A_391 = tpu.vector_load %arg4[%get3A_390] {strides = array<i32>} : memref<16384xf32, #tpu.memory_space<vmem>>, vector<16xf32>,
      %get3A_392 = vector.shape_cast %get3A_391 : vector<16xf32> to vector<16xf32>
      %max3A_393 = arith.constant 9.99999997E-7 : f32
      %max3A_394 = vector.broadcast %max3A_393 : f32 to vector<16xf32>
      %max3A_395 = arith.maximumf %get3A_392, %max3A_394 : vector<16xf32>
      %min3A_396 = arith.constant 0.999998986 : f32
      %min3A_397 = vector.broadcast %min3A_396 : f32 to vector<16xf32>
      %min3A_398 = arith.minimumf %max3A_395, %min3A_397 : vector<16xf32>
      %mul3A_399 = arith.constant 2.560000e+02 : f32
      %mul3A_400 = vector.broadcast %mul3A_399 : f32 to vector<16xf32>
      %mul3A_401 = arith.mulf %min3A_398, %mul3A_400 : vector<16xf32>
      %convert_element_type3A_402 = arith.fptosi %mul3A_401 : vector<16xf32> to vector<16xi32>
      %swap3A_403 = arith.index_cast %add3A_389 : i32 to index
      %swap3A_404 = tpu.vector_load %arg5[%swap3A_403] {strides = array<i32>} : memref<16384xi32, #tpu.memory_space<vmem>>, vector<16xi32>,
      %swap3A_405 = vector.shape_cast %swap3A_404 : vector<16xi32> to vector<16xi32>
      %swap3A_406 = vector.shape_cast %convert_element_type3A_402 : vector<16xi32> to vector<16xi32>
      tpu.vector_store %arg5[%swap3A_403], %swap3A_406 {strides = array<i32>} : memref<16384xi32, #tpu.memory_space<vmem>>, vector<16xi32>,
      %add3A_407 = arith.constant 240 : i32
      %add3A_408 = arith.addi %add3A_126, %add3A_407 : i32
      %get3A_409 = arith.index_cast %add3A_408 : i32 to index
      %get3A_410 = tpu.vector_load %arg4[%get3A_409] {strides = array<i32>} : memref<16384xf32, #tpu.memory_space<vmem>>, vector<16xf32>,
      %get3A_411 = vector.shape_cast %get3A_410 : vector<16xf32> to vector<16xf32>
      %max3A_412 = arith.constant 9.99999997E-7 : f32
      %max3A_413 = vector.broadcast %max3A_412 : f32 to vector<16xf32>
      %max3A_414 = arith.maximumf %get3A_411, %max3A_413 : vector<16xf32>
      %min3A_415 = arith.constant 0.999998986 : f32
      %min3A_416 = vector.broadcast %min3A_415 : f32 to vector<16xf32>
      %min3A_417 = arith.minimumf %max3A_414, %min3A_416 : vector<16xf32>
      %mul3A_418 = arith.constant 2.560000e+02 : f32
      %mul3A_419 = vector.broadcast %mul3A_418 : f32 to vector<16xf32>
      %mul3A_420 = arith.mulf %min3A_417, %mul3A_419 : vector<16xf32>
      %convert_element_type3A_421 = arith.fptosi %mul3A_420 : vector<16xf32> to vector<16xi32>
      %swap3A_422 = arith.index_cast %add3A_408 : i32 to index
      %swap3A_423 = tpu.vector_load %arg5[%swap3A_422] {strides = array<i32>} : memref<16384xi32, #tpu.memory_space<vmem>>, vector<16xi32>,
      %swap3A_424 = vector.shape_cast %swap3A_423 : vector<16xi32> to vector<16xi32>
      %swap3A_425 = vector.shape_cast %convert_element_type3A_421 : vector<16xi32> to vector<16xi32>
      tpu.vector_store %arg5[%swap3A_422], %swap3A_425 {strides = array<i32>} : memref<16384xi32, #tpu.memory_space<vmem>>, vector<16xi32>,
    }
    %scan3A_79 = arith.constant 32 : i32
    %dma_start3A_80 = arith.constant 8192 : i32
    %dma_start3A_81 = tpu.memref_slice %arg5[%dma_start3A_80] : memref<16384xi32, #tpu.memory_space<vmem>> -> memref<8192xi32, #tpu.memory_space<vmem>>
    %dma_start3A_82 = arith.constant 0 : i32
    %dma_start3A_83 = tpu.memref_slice %arg3[%add3A, %dma_start3A_82] : memref<32x16384xi32, #tpu.memory_space<hbm>> -> memref<1x16384xi32, #tpu.memory_space<hbm>>
    %dma_start3A_84 = tpu.memref_squeeze %dma_start3A_83 : memref<1x16384xi32, #tpu.memory_space<hbm>> -> memref<16384xi32, #tpu.memory_space<hbm>>
    %dma_start3A_85 = arith.constant 8192 : i32
    %dma_start3A_86 = tpu.memref_slice %dma_start3A_84[%dma_start3A_85] : memref<16384xi32, #tpu.memory_space<hbm>> -> memref<8192xi32, #tpu.memory_space<hbm>>
    %dma_start3A_87 = arith.constant 0 : i32
    %dma_start3A_88 = tpu.memref_slice %arg3[%add3A, %dma_start3A_87] : memref<32x16384xi32, #tpu.memory_space<hbm>> -> memref<1x16384xi32, #tpu.memory_space<hbm>>
    %dma_start3A_89 = tpu.memref_squeeze %dma_start3A_88 : memref<1x16384xi32, #tpu.memory_space<hbm>> -> memref<16384xi32, #tpu.memory_space<hbm>>
    %dma_start3A_90 = arith.constant 8192 : i32
    %dma_start3A_91 = tpu.memref_slice %dma_start3A_89[%dma_start3A_90] : memref<16384xi32, #tpu.memory_space<hbm>> -> memref<8192xi32, #tpu.memory_space<hbm>>
    %dma_start3A_92 = arith.constant 8192 : i32
    %dma_start3A_93 = tpu.memref_slice %arg5[%dma_start3A_92] : memref<16384xi32, #tpu.memory_space<vmem>> -> memref<8192xi32, #tpu.memory_space<vmem>>
    tpu.enqueue_dma source(%dma_start3A_93 : memref<8192xi32, #tpu.memory_space<vmem>>) target(%dma_start3A_91 : memref<8192xi32, #tpu.memory_space<hbm>>) target_semaphore(%arg7 : memref<!tpu.dma_semaphore, #tpu.memory_space<semaphore_mem>>)
    %dma_wait3A_94 = arith.constant 0 : i32
    %dma_wait3A_95 = tpu.memref_slice %arg5[%dma_wait3A_94] : memref<16384xi32, #tpu.memory_space<vmem>> -> memref<8192xi32, #tpu.memory_space<vmem>>
    %dma_wait3A_96 = arith.constant 0 : i32
    %dma_wait3A_97 = tpu.memref_slice %arg3[%add3A, %dma_wait3A_96] : memref<32x16384xi32, #tpu.memory_space<hbm>> -> memref<1x16384xi32, #tpu.memory_space<hbm>>
    %dma_wait3A_98 = tpu.memref_squeeze %dma_wait3A_97 : memref<1x16384xi32, #tpu.memory_space<hbm>> -> memref<16384xi32, #tpu.memory_space<hbm>>
    %dma_wait3A_99 = arith.constant 0 : i32
    %dma_wait3A_100 = tpu.memref_slice %dma_wait3A_98[%dma_wait3A_99] : memref<16384xi32, #tpu.memory_space<hbm>> -> memref<8192xi32, #tpu.memory_space<hbm>>
    %dma_wait3A_101 = arith.constant 0 : i32
    %dma_wait3A_102 = tpu.memref_slice %arg3[%add3A, %dma_wait3A_101] : memref<32x16384xi32, #tpu.memory_space<hbm>> -> memref<1x16384xi32, #tpu.memory_space<hbm>>
    %dma_wait3A_103 = tpu.memref_squeeze %dma_wait3A_102 : memref<1x16384xi32, #tpu.memory_space<hbm>> -> memref<16384xi32, #tpu.memory_space<hbm>>
    %dma_wait3A_104 = arith.constant 0 : i32
    %dma_wait3A_105 = tpu.memref_slice %dma_wait3A_103[%dma_wait3A_104] : memref<16384xi32, #tpu.memory_space<hbm>> -> memref<8192xi32, #tpu.memory_space<hbm>>
    %dma_wait3A_106 = arith.constant 0 : i32
    %dma_wait3A_107 = tpu.memref_slice %arg5[%dma_wait3A_106] : memref<16384xi32, #tpu.memory_space<vmem>> -> memref<8192xi32, #tpu.memory_space<vmem>>
    tpu.wait_dma2 semaphore(%arg7 : memref<!tpu.dma_semaphore, #tpu.memory_space<semaphore_mem>>) src(%dma_wait3A_107 : memref<8192xi32, #tpu.memory_space<vmem>>) dst(%dma_wait3A_105 : memref<8192xi32, #tpu.memory_space<hbm>>)
    %dma_wait3A_108 = arith.constant 8192 : i32
    %dma_wait3A_109 = tpu.memref_slice %arg5[%dma_wait3A_108] : memref<16384xi32, #tpu.memory_space<vmem>> -> memref<8192xi32, #tpu.memory_space<vmem>>
    %dma_wait3A_110 = arith.constant 0 : i32
    %dma_wait3A_111 = tpu.memref_slice %arg3[%add3A, %dma_wait3A_110] : memref<32x16384xi32, #tpu.memory_space<hbm>> -> memref<1x16384xi32, #tpu.memory_space<hbm>>
    %dma_wait3A_112 = tpu.memref_squeeze %dma_wait3A_111 : memref<1x16384xi32, #tpu.memory_space<hbm>> -> memref<16384xi32, #tpu.memory_space<hbm>>
    %dma_wait3A_113 = arith.constant 8192 : i32
    %dma_wait3A_114 = tpu.memref_slice %dma_wait3A_112[%dma_wait3A_113] : memref<16384xi32, #tpu.memory_space<hbm>> -> memref<8192xi32, #tpu.memory_space<hbm>>
    %dma_wait3A_115 = arith.constant 0 : i32
    %dma_wait3A_116 = tpu.memref_slice %arg3[%add3A, %dma_wait3A_115] : memref<32x16384xi32, #tpu.memory_space<hbm>> -> memref<1x16384xi32, #tpu.memory_space<hbm>>
    %dma_wait3A_117 = tpu.memref_squeeze %dma_wait3A_116 : memref<1x16384xi32, #tpu.memory_space<hbm>> -> memref<16384xi32, #tpu.memory_space<hbm>>
    %dma_wait3A_118 = arith.constant 8192 : i32
    %dma_wait3A_119 = tpu.memref_slice %dma_wait3A_117[%dma_wait3A_118] : memref<16384xi32, #tpu.memory_space<hbm>> -> memref<8192xi32, #tpu.memory_space<hbm>>
    %dma_wait3A_120 = arith.constant 8192 : i32
    %dma_wait3A_121 = tpu.memref_slice %arg5[%dma_wait3A_120] : memref<16384xi32, #tpu.memory_space<vmem>> -> memref<8192xi32, #tpu.memory_space<vmem>>
    tpu.wait_dma2 semaphore(%arg7 : memref<!tpu.dma_semaphore, #tpu.memory_space<semaphore_mem>>) src(%dma_wait3A_121 : memref<8192xi32, #tpu.memory_space<vmem>>) dst(%dma_wait3A_119 : memref<8192xi32, #tpu.memory_space<hbm>>)
    return
  }
}

</mosaic_0001>

<sc_bundles>
// kernel: kernel.3.cloned.1.call-start
scs
__scs_entry_jumppad:
0x0: {  	(pc) =	sbr.rel $0x88, $3  }
0x1: {  	(tag) =	ssettag $0x0;
	lr =	simm.s32 $0x1  }
0x2: {  	[smem:$0x3FA0] =	sst lr;
	_ =	strace $0xD0000000  }
0x3: {  	_ = 	snop  }
0x4: {  	_ = 	snop  }
0x5: {  	_ = 	snop  }
0x6: {  	_ = 	snop  }
0x7: {  	_ = 	snop  }
__scs_overlays_trampoline_lowered:
0x8: {  	[smem:$0x3FAF] =	sst s0  }
0x9: {  	[smem:$0x3FB0] =	sst s1  }
0xa: {  	[smem:$0x3FB1] =	sst s2  }
0xb: {  	[smem:$0x3FB2] =	sst s3  }
0xc: {  	[smem:$0x3FB3] =	sst s4  }
0xd: {  	[smem:$0x3FB4] =	sst s5  }
0xe: {  	[smem:$0x3FB5] =	sst s6  }
0xf: {  	[smem:$0x3FB6] =	sst s7  }
0x10: {  	[smem:$0x3FB7] =	sst s8  }
0x11: {  	[smem:$0x3FB8] =	sst s9;
	s0 =	simm.s32 @!p0 $0x0  }
0x12: {  	s1 =	sld [smem:$0x3F9E];
	s0 =	simm.s32 @p0 $0x1  }
0x13: {  	[smem:$0x3FB9] =	sst s0;
	s0 =	simm.s32 @!p1 $0x0  }
0x14: {  	s2 =	sld [smem:$0x3F9D];
	s0 =	simm.s32 @p1 $0x1  }
0x15: {  	[smem:$0x3FBA] =	sst s0;
	s0 =	simm.s32 @!p2 $0x0  }
0x16: {  	s3 =	sld [smem:$0x3FDB];
	s0 =	simm.s32 @p2 $0x1  }
0x17: {  	s4 =	simm.s32 $0x1BF5;
	[smem:$0x3FBC] =	sst s0  }
0x18: {  	s0 =	sld [smem:$0x3F9F];
	_ =	swait.ge [sflag:s4], $0x0  }
0x19: {  	s7 =	sld [smem:$0x3FA0]  }
0x1a: {  	s8 =	sadd.s32 $0xFFFFE003, lr  }
0x1b: {  	s9 =	sadd.s32 $0xFFFFFEF7, lr;
	s5 =	simm.s32 $0xFFFFFFFF;
	p2 =	slt.u32 s8, $0xFFFFF086  }
0x1c: {  	p1 =	slt.u32 s9, $0xF7A;
	s5 =	simm.s32 @!p2 $0x0  }
0x1d: {  	s5 =	simm.s32 @p1 $0x1;
	p0 =	seq.s32 s7, s2  }
0x1e: {  	s7 =	smul.u32 @!p0 $0xF7A, s2;
	p2 =	seq.s32 @!p0 s5, $0x0  }
0x1f: {  	s9 =	smul.u32 $0xF7A, s1;
	s8 =	simm.s32 @!p0 $0x1BF5;
	p2 =	por !p2, p0  }
0x20: {  	[sflag:s8] =	ssyncset.s32 @!p0 $0xFFFFF086;
	s6 =	sadd.s32 @!p0 s3, s7;
	s7 =	simm.s32 @!p0 $0x108  }
0x21: {  	s3 =	sadd.s32 s3, s9;
	s6 =	sadd.s32 @!p0 $0x88, s6;
	s7 =	simm.s32 @p2 $0x1082  }
0x22: {  	[simem:s7], [sflag:s8] =	dma.local @!p0 [hbm:s6], $0xF7A  }
0x23: {  	s9 =	sor.u32 $0xD0000000, s2;
	s6 =	simm.s32 $0x108;
	_ =	swait.ge @!p0 [sflag:s8], $0x0  }
0x24: {  	s3 =	sadd.s32 $0x88, s3;
	s6 =	simm.s32 @!p1 $0x1082;
	[sflag:s4] =	ssyncset.s32 $0xFFFFF086  }
0x25: {  	[simem:s6], [sflag:s4] =	dma.local [hbm:s3], $0xF7A  }
0x26: {  	[smem:$0x3FA0] =	sst s1;
	(tag) =	ssettag s2;
	_ =	strace s9  }
0x27: {  	s1 =	sld [smem:$0x3FB0]  }
0x28: {  	s2 =	sld [smem:$0x3FB1]  }
0x29: {  	s4 =	sld [smem:$0x3FB3]  }
0x2a: {  	p0 =	seq.s32 s5, $0x0;
	s5 =	sld [smem:$0x3FB4]  }
0x2b: {  	s6 =	sld [smem:$0x3FB5]  }
0x2c: {  	s7 =	sld [smem:$0x3FB6]  }
0x2d: {  	s3 =	simm.s32 $0x108;
	s8 =	sld [smem:$0x3FB7]  }
0x2e: {  	s3 =	simm.s32 @!p0 $0x1082;
	s9 =	sld [smem:$0x3FB8]  }
0x2f: {  	lr =	sadd.s32 s0, s3;
	s0 =	sld [smem:$0x3FAF]  }
0x30: {  	s3 =	sld [smem:$0x3FB2]  }
0x31: {  	[smem:$0x3FBB] =	sst s10  }
0x32: {  	s10 =	sld [smem:$0x3FB9];
	_ =	sdelay $0x3  }
0x33: {  	p0 =	seq.s32 s10, $0x1;
	s10 =	sld [smem:$0x3FBB];
	_ =	sdelay $0x3  }
0x34: {  	[smem:$0x3FBB] =	sst s10  }
0x35: {  	s10 =	sld [smem:$0x3FBA];
	_ =	sdelay $0x3  }
0x36: {  	p1 =	seq.s32 s10, $0x1;
	s10 =	sld [smem:$0x3FBB];
	_ =	sdelay $0x3  }
0x37: {  	[smem:$0x3FBB] =	sst s10  }
0x38: {  	s10 =	sld [smem:$0x3FBC]  }
0x39: {  	_ = 	snop;
	(pc) =	sbr.ind lr, $3  }
0x3a: {  	_ = 	snop  }
0x3b: {  	_ = 	snop  }
0x3c: {  	p2 =	seq.s32 s10, $0x1;
	s10 =	sld [smem:$0x3FBB]  }
0x3d: {  	_ =	shalt  }
0x3e: {  	_ =	shalt  }
0x3f: {  	_ =	shalt  }
0x40: {  	_ =	shalt  }
0x41: {  	_ =	shalt  }
0x42: {  	_ =	shalt  }
0x43: {  	_ =	shalt  }
0x44: {  	_ =	shalt  }
0x45: {  	_ =	shalt  }
0x46: {  	_ =	shalt  }
0x47: {  	_ =	shalt  }
0x48: {  	_ =	shalt  }
0x49: {  	_ =	shalt  }
0x4a: {  	_ =	shalt  }
0x4b: {  	_ =	shalt  }
0x4c: {  	_ =	shalt  }
0x4d: {  	_ =	shalt  }
0x4e: {  	_ =	shalt  }
0x4f: {  	_ =	shalt  }
0x50: {  	_ =	shalt  }
0x51: {  	_ =	shalt  }
0x52: {  	_ =	shalt  }
0x53: {  	_ =	shalt  }
0x54: {  	_ =	shalt  }
0x55: {  	_ =	shalt  }
0x56: {  	_ =	shalt  }
0x57: {  	_ =	shalt  }
0x58: {  	_ =	shalt  }
0x59: {  	_ =	shalt  }
0x5a: {  	_ =	shalt  }
0x5b: {  	_ =	shalt  }
0x5c: {  	_ =	shalt  }
0x5d: {  	_ =	shalt  }
0x5e: {  	_ =	shalt  }
0x5f: {  	_ =	shalt  }
0x60: {  	_ =	shalt  }
0x61: {  	_ =	shalt  }
0x62: {  	_ =	shalt  }
0x63: {  	_ =	shalt  }
0x64: {  	_ =	shalt  }
0x65: {  	_ =	shalt  }
0x66: {  	_ =	shalt  }
0x67: {  	_ =	shalt  }
0x68: {  	_ =	shalt  }
0x69: {  	_ =	shalt  }
0x6a: {  	_ =	shalt  }
0x6b: {  	_ =	shalt  }
0x6c: {  	_ =	shalt  }
0x6d: {  	_ =	shalt  }
0x6e: {  	_ =	shalt  }
0x6f: {  	_ =	shalt  }
0x70: {  	_ =	shalt  }
0x71: {  	_ =	shalt  }
0x72: {  	_ =	shalt  }
0x73: {  	_ =	shalt  }
0x74: {  	_ =	shalt  }
0x75: {  	_ =	shalt  }
0x76: {  	_ =	shalt  }
0x77: {  	_ =	shalt  }
0x78: {  	_ =	shalt  }
0x79: {  	_ =	shalt  }
0x7a: {  	_ =	shalt  }
0x7b: {  	_ =	shalt  }
0x7c: {  	_ =	shalt  }
0x7d: {  	_ =	shalt  }
0x7e: {  	_ =	shalt  }
0x7f: {  	_ =	shalt  }
0x80: {  	_ =	shalt  }
0x81: {  	_ =	shalt  }
0x82: {  	_ =	shalt  }
0x83: {  	_ =	shalt  }
0x84: {  	_ =	shalt  }
0x85: {  	_ =	shalt  }
0x86: {  	_ =	shalt  }
0x87: {  	_ =	shalt  }
.Lfunc_end0:
.L_simem_size_0:
called_computation_lowered:
.L_overlay_start_0:
0x88: {  	s2 =	sld [smem:$0x3FD9]  }
0x89: {  	s3 =	sld [smem:$0x3FFE];
	_ =	sdelay $0x1  }
0x8a: {  	s1 =	srdreg.scid  }
0x8b: {  	s0 =	sand.u32 $0x1, s1  }
0x8c: {  	s18 =	sshll.u32 s0, $0xA;
	s2 =	sadd.s32 s3, s2  }
0x8d: {  	s2 =	sadd.s32 s2, s18  }
0x8e: {  	[smem:$0x3FC7] =	sst s2  }
0x8f: {  	_ = 	snop  }
0x90: {  	s2 =	sld [smem:$0x3FC9]  }
0x91: {  	s19 =	sld [smem:$0x3FD0];
	(tm) =	ssettm $0x1  }
0x92: {  	s4 =	sld [smem:$0x3FFB];
	_ =	sdelay $0x3  }
0x93: {  	_ =	strace s4  }
0x94: {  	s4 =	sld [smem:$0x3FFC];
	_ =	sdelay $0x3  }
0x95: {  	_ =	strace s4  }
0x96: {  	s4 =	sld [smem:$0x3FFD];
	_ =	sdelay $0x3  }
0x97: {  	_ =	strace s4  }
0x98: {  	_ =	strace $0x8FFFFFFF  }
0x99: {  	s20 =	sld [smem:$0x3FDB];
	_ =	sdelay $0x1  }
0x9a: {  	s5 =	simm.s32 $_scs_section_size  }
0x9b: {  	s6 =	simm.s32 $_size__tile_overlayer_lowered;
	s7 =	simm.s32 $_tile_overlayer_lowered  }
0x9c: {  	s23 =	simm.s32 $0x1BFF;
	s22 =	sshll.u32 s7, $0x1;
	s4 =	sadd.s32 s5, s20  }
0x9d: {  	s8 =	simm.s32 $0x0;
	s21 =	sshll.u32 s6, $0x1;
	s6 =	sadd.s32 s22, s4  }
0x9e: {  	[timem:s8], [sflag:s23] =	dma.local [hbm:s6], s21  }
0x9f: {  	_ =	swait.ge [sflag:s23], s21  }
0xa0: {  	s5 =	ssub.s32 $0x0, s21;
	[sflag:s23] =	ssyncset.done $0x0  }
0xa1: {  	[sflag:s23] =	ssyncadd.s32 s5;
	_ =	sdelay $0x1  }
0xa2: {  	s24 =	simm.s32 $0x1B8B  }
0xa3: {  	_ =	swait.ge [sflag:s24], $0x1  }
0xa4: {  	[sflag:s24] =	ssyncset.done $0x0  }
0xa5: {  	s25 =	simm.s32 $0x1B8E;
	[sflag:s24] =	ssyncadd.s32 $0xFFFFFFFF  }
0xa6: {  	s26 =	simm.s32 $execute0_lowered;
	[smem:$0x3FD2] =	sst s25  }
0xa7: {  	s5 =	sshll.u32 s26, $0x1;
	_ =	strace $0x80000046;
	[dreg:$0x1] =	wrdreg $0xFFFFFFFF  }
0xa8: {  	s28 =	simm.s32 $_size_execute0_lowered;
	s4 =	sadd.s32 s4, s5;
	[dreg:$0x0] =	wrdreg $0x0  }
0xa9: {  	s5 =	sshll.u32 s28, $0x1;
	[dreg:$0x2] =	wrdreg s4  }
0xaa: {  	[dreg:$0x3] =	wrdreg s5  }
0xab: {  	[dreg:$0x4] =	wrdreg $0xC0  }
0xac: {  	_ =	task [dreg:s8], $0x5FFFF  }
0xad: {  	[dreg:$0x1] =	wrdreg $0xFFFFFFFF  }
0xae: {  	[dreg:$0x0] =	wrdreg $0x60  }
0xaf: {  	[dreg:$0x2] =	wrdreg s2  }
0xb0: {  	[dreg:$0x3] =	wrdreg s19  }
0xb1: {  	[dreg:$0x4] =	wrdreg $0x9  }
0xb2: {  	_ =	task.clear_ibuf [dreg:s8], $0x5FFFF;
	_ =	strace $0x90000046  }
0xb3: {  	s29 =	simm.s32 $0x9;
	_ =	strace $0x80000048  }
0xb4: {  	_ =	swait.ge [sflag:s29], $0x1  }
0xb5: {  	[sflag:s29] =	ssyncadd.s32 $0xFFFFFFFF  }
0xb6: {  	_ =	strace $0x90000048  }
0xb7: {  	_ =	sfence  }
0xb8: {  	s30 =	sld [smem:$0x0];
	_ =	sdelay $0x2  }
0xb9: {  	s31 =	sshll.u32 s1, $0xD;
	s1 =	sshrl.u32 s1, $0x2  }
0xba: {  	s3 =	sand.u32 $0x4000, s31;
	s1 =	sadd.s32 s1, s30  }
0xbb: {  	s0 =	sor.u32 s3, s0;
	s1 =	sshll.u32 s1, $0x11  }
0xbc: {  	s0 =	sor.u32 s1, s0  }
0xbd: {  	s0 =	sadd.s32 $0x8F2B, s0  }
0xbe: {  	[sflag:s0] =	ssyncadd.remote.s32 $0x1  }
0xbf: {  	_ =	sfence.sel $0xFFFF  }
0xc0: {  	[dreg:$0x0] =	wrdreg $0xFFFFFFFF;
	(pc) =	sbr.abs _section_cstart, $3  }
0xc1: {  	[dreg:$0x1] =	wrdreg $0xFFFFFFFF  }
0xc2: {  	_ =	task.clear_ibuf [dreg:s8], $0x2FFFF;
	_ =	strace $0x9FFFFFFF  }
0xc3: {  	(tm) =	ssettm $0x7FFFFFFF  }
tec
execute0_lowered:
.L_overlay_start_1:
0x0: {  	(tag) =	ssettag $0x1  }
0x1: {  	s3 =	rddreg [dreg:$0x0]  }
0x2: {  	s5 =	rddreg [dreg:$0x1]  }
0x3: {  	s0 =	rddreg [dreg:$0x2]  }
0x4: {  	s4 =	srdreg.scid;
	s1 =	stileid.u32  }
0x5: {  	s2 =	simm.s32 $0x0;
	s9 =	simm.s32 $0x2000;
	s10 =	simm.s32 $0x1  }
0x6: {  	s11 =	simm.s32 $0x4000;
	s13 =	simm.s32 $0x6000;
	s14 =	simm.s32 $0x2  }
0x7: {  	s15 =	simm.s32 $0x0;
	s4 =	sand.u32 $0x1, s4;
	s6 =	sshll.u32 s1, $0x5  }
0x8: {  	s7 =	sshll.u32 s1, $0xC;
	[smem:$0x7FF] =	sst s2;
	s8 =	sshll.u32 s4, $0x4  }
0x9: {  	s6 =	sand.u32 $0x60, s6;
	s4 =	ssub.s32 $0x2, s4;
	s7 =	sand.u32 $0xC000, s7  }
0xa: {  	_ =	strace $0x80000047;
	s6 =	sor.u32 s8, s6;
	s30 =	sshrl.u32 s4, $0x1  }
0xb: {  	s8 =	simm.s32 $0x400;
	s6 =	sor.u32 s7, s6;
	s31 =	ssub.s32 s4, s30  }
0xc: {  	s7 =	simm.s32 $0x80;
	s3 =	sadd.s32 s3, s6;
	s5 =	sadd.s32 s5, s6  }
0xd: {  	s6 =	smax.u32 s31, $0x1;
	s4 =	sadd.s32 $0x2000, s3;
	s12 =	sadd.s32 $0x2000, s5  }
.LBB2_1:
0xe: {  	[tilespmem:s2], [sflag:$0x1] =	stream.strided.gather [hbm4b:s3+s7], $0x2000, s8, s7, $0x38;
	[tilespmem:$0x8000] =	vst v63  }
0xf: {  	_ = 	snop  }
0x10: {  	[tilespmem:s9], [sflag:$0x1] =	stream.strided.gather [hbm4b:s4+s7], $0x2000, s8, s7, $0x38;
	[tilespmem:$0x8000] =	vst v63  }
0x11: {  	_ =	swait.ge [sflag:s10], $0x2000  }
0x12: {  	[sflag:s10] =	ssyncset.done $0x0  }
0x13: {  	s16 =	simm.s32 $0x0;
	[sflag:s10] =	ssyncadd.s32 $0xFFFFE000  }
0x14: {  	v0 =	vld [tilespmem:s16+$0xD0]  }
0x15: {  	v1 =	vld [tilespmem:s16+$0xE0]  }
0x16: {  	v2 =	vld [tilespmem:s16+$0xC0]  }
0x17: {  	v3 =	vld [tilespmem:s16+$0xF0]  }
0x18: {  	v4 =	vld [tilespmem:s16+$0xB0]  }
0x19: {  	v7 =	vld [tilespmem:s16+$0x50]  }
0x1a: {  	v9 =	vld [tilespmem:s16+$0x0]  }
0x1b: {  	v11 =	vld [tilespmem:s16+$0x80]  }
0x1c: {  	v8 =	vld [tilespmem:s16+$0x60];
	_ =	sdelay $0x1  }
0x1d: {  	v1 =	vmax.f32 v1, $9.999999970e-07;
	v0 =	vmax.f32 v0, $9.999999970e-07  }
0x1e: {  	v3 =	vmax.f32 v3, $9.999999970e-07;
	v4 =	vmax.f32 v4, $9.999999970e-07;
	v2 =	vmax.f32 v2, $9.999999970e-07  }
0x1f: {  	v7 =	vmax.f32 v7, $9.999999970e-07;
	v9 =	vmax.f32 v9, $9.999999970e-07;
	v11 =	vmax.f32 v11, $9.999999970e-07  }
0x20: {  	v8 =	vmax.f32 v8, $9.999999970e-07;
	v1 =	vmin.f32 v1, $9.999989860e-01;
	v0 =	vmin.f32 v0, $9.999989860e-01  }
0x21: {  	v3 =	vmin.f32 v3, $9.999989860e-01;
	v4 =	vmin.f32 v4, $9.999989860e-01;
	v2 =	vmin.f32 v2, $9.999989860e-01  }
0x22: {  	v11 =	vmin.f32 v11, $9.999989860e-01;
	v1 =	vmul.f32 $2.560000000e+02, v1;
	v0 =	vmul.f32 $2.560000000e+02, v0  }
0x23: {  	v7 =	vmin.f32 v7, $9.999989860e-01;
	v4 =	vmul.f32 $2.560000000e+02, v4;
	v2 =	vmul.f32 $2.560000000e+02, v2  }
0x24: {  	v5 =	vld [tilespmem:s16+$0x90];
	v9 =	vmin.f32 v9, $9.999989860e-01;
	v3 =	vmul.f32 $2.560000000e+02, v3;
	v7 =	vmul.f32 $2.560000000e+02, v7  }
0x25: {  	v10 =	vld [tilespmem:s16+$0x30];
	v8 =	vmin.f32 v8, $9.999989860e-01;
	v11 =	vmul.f32 $2.560000000e+02, v11;
	v9 =	vmul.f32 $2.560000000e+02, v9  }
0x26: {  	v12 =	vld [tilespmem:s16+$0x10];
	v8 =	vmul.f32 $2.560000000e+02, v8;
	v0 =	vtrunc.f32 v0  }
0x27: {  	v13 =	vld [tilespmem:s16+$0x70];
	v1 =	vtrunc.f32 v1;
	v4 =	vtrunc.f32 v4  }
0x28: {  	v14 =	vld [tilespmem:s16+$0x20];
	v2 =	vtrunc.f32 v2;
	v3 =	vtrunc.f32 v3  }
0x29: {  	v5 =	vmax.f32 v5, $9.999999970e-07;
	v7 =	vtrunc.f32 v7;
	v0 =	vcvt.f32.s32 v0  }
0x2a: {  	v15 =	vld [tilespmem:s16+$0x40];
	v10 =	vmax.f32 v10, $9.999999970e-07;
	v9 =	vtrunc.f32 v9;
	v1 =	vcvt.f32.s32 v1  }
0x2b: {  	v8 =	vtrunc.f32 v8;
	v3 =	vcvt.f32.s32 v3;
	[tilespmem:s16+$0x40D0] =	vst v0;
	v0 =	vmax.f32 v12, $9.999999970e-07  }
0x2c: {  	s17 =	simm.s32 $0x100;
	v6 =	vld [tilespmem:s16+$0xA0];
	v9 =	vcvt.f32.s32 v9;
	[tilespmem:s16+$0x40E0] =	vst v1;
	v1 =	vmax.f32 v13, $9.999999970e-07;
	v0 =	vmin.f32 v0, $9.999989860e-01  }
0x2d: {  	v13 =	vmax.f32 v14, $9.999999970e-07;
	v12 =	vld [tilespmem:s17+$0xD0];
	v1 =	vmin.f32 v1, $9.999989860e-01;
	v14 =	vmul.f32 $2.560000000e+02, v0  }
0x2e: {  	v16 =	vld [tilespmem:s17+$0xE0];
	v13 =	vmin.f32 v13, $9.999989860e-01;
	v17 =	vmul.f32 $2.560000000e+02, v1;
	v0 =	vcvt.f32.s32 v4  }
0x2f: {  	v18 =	vld [tilespmem:s17+$0xC0];
	v1 =	vmax.f32 v15, $9.999999970e-07;
	v13 =	vmul.f32 $2.560000000e+02, v13;
	v4 =	vtrunc.f32 v14  }
0x30: {  	v15 =	vmin.f32 v1, $9.999989860e-01;
	v1 =	vcvt.f32.s32 v2;
	v14 =	vld [tilespmem:s17+$0xF0];
	v2 =	vcvt.f32.s32 v4  }
0x31: {  	v6 =	vmax.f32 v6, $9.999999970e-07;
	v8 =	vcvt.f32.s32 v8;
	v15 =	vmul.f32 $2.560000000e+02, v15;
	v4 =	vld [tilespmem:s17+$0xB0]  }
0x32: {  	v6 =	vmin.f32 v6, $9.999989860e-01;
	v19 =	vld [tilespmem:s17+$0x90];
	v17 =	vtrunc.f32 v17;
	v13 =	vtrunc.f32 v13;
	[tilespmem:s16+$0x4010] =	vst v2  }
0x33: {  	v17 =	vcvt.f32.s32 v17;
	v15 =	vtrunc.f32 v15;
	v2 =	vld [tilespmem:s17+$0xA0];
	[tilespmem:s16+$0x40F0] =	vst v3;
	v3 =	vmin.f32 v5, $9.999989860e-01  }
0x34: {  	v10 =	vmin.f32 v10, $9.999989860e-01;
	v5 =	vtrunc.f32 v11;
	v20 =	vld [tilespmem:s17+$0x50];
	v21 =	vmul.f32 $2.560000000e+02, v3  }
0x35: {  	v11 =	vld [tilespmem:s17+$0x60];
	v3 =	vmax.f32 v16, $9.999999970e-07;
	v5 =	vcvt.f32.s32 v5;
	v14 =	vmax.f32 v14, $9.999999970e-07  }
0x36: {  	v16 =	vld [tilespmem:s17+$0x0];
	v22 =	vmin.f32 v3, $9.999989860e-01;
	v4 =	vmax.f32 v4, $9.999999970e-07;
	v14 =	vmin.f32 v14, $9.999989860e-01  }
0x37: {  	v3 =	vld [tilespmem:s17+$0x30];
	v21 =	vtrunc.f32 v21;
	[tilespmem:s16+$0x4080] =	vst v5;
	v5 =	vmul.f32 $2.560000000e+02, v6;
	v6 =	vmin.f32 v4, $9.999989860e-01  }
0x38: {  	v23 =	vld [tilespmem:s17+$0x80];
	v21 =	vcvt.f32.s32 v21;
	[tilespmem:s16+$0x4070] =	vst v17;
	v6 =	vmul.f32 $2.560000000e+02, v6;
	v17 =	vmax.f32 v18, $9.999999970e-07  }
0x39: {  	v22 =	vmul.f32 $2.560000000e+02, v22;
	v4 =	vmax.f32 v19, $9.999999970e-07;
	v17 =	vmin.f32 v17, $9.999989860e-01  }
0x3a: {  	v18 =	vld [tilespmem:s17+$0x10];
	v19 =	vmax.f32 v20, $9.999999970e-07;
	[tilespmem:s16+$0x4090] =	vst v21;
	v62 =	vtrunc.f32 v6;
	v6 =	vmax.f32 v12, $9.999999970e-07  }
0x3b: {  	v12 =	vcvt.f32.s32 v13;
	v17 =	vmul.f32 $2.560000000e+02, v17;
	v13 =	vld [tilespmem:s17+$0x70];
	v6 =	vmin.f32 v6, $9.999989860e-01  }
0x3c: {  	v16 =	vmax.f32 v16, $9.999999970e-07;
	v11 =	vmax.f32 v11, $9.999999970e-07;
	v21 =	vld [tilespmem:s17+$0x20];
	[tilespmem:s16+$0x4000] =	vst v9;
	v6 =	vmul.f32 $2.560000000e+02, v6  }
0x3d: {  	[tilespmem:s16+$0x4020] =	vst v12;
	v63 =	vtrunc.f32 v17;
	v17 =	vcvt.f32.s32 v7;
	v12 =	vmax.f32 v23, $9.999999970e-07  }
0x3e: {  	v24 =	vld [tilespmem:s17+$0x40];
	v7 =	vmin.f32 v12, $9.999989860e-01;
	v6 =	vtrunc.f32 v6;
	v12 =	vcvt.f32.s32 v15  }
0x3f: {  	v9 =	vmax.f32 v18, $9.999999970e-07;
	v18 =	vtrunc.f32 v22;
	v15 =	vcvt.f32.s32 v6  }
0x40: {  	[tilespmem:s16+$0x4050] =	vst v17;
	v6 =	vmin.f32 v16, $9.999989860e-01;
	v16 =	vmin.f32 v9, $9.999989860e-01;
	v13 =	vmax.f32 v13, $9.999999970e-07  }
0x41: {  	v9 =	vmul.f32 $2.560000000e+02, v14;
	v21 =	vmax.f32 v21, $9.999999970e-07;
	[tilespmem:s16+$0x4040] =	vst v12;
	v13 =	vmin.f32 v13, $9.999989860e-01  }
0x42: {  	v14 =	vmin.f32 v21, $9.999989860e-01;
	[tilespmem:s17+$0x40D0] =	vst v15;
	v15 =	vmul.f32 $2.560000000e+02, v16;
	v12 =	vmul.f32 $2.560000000e+02, v13  }
0x43: {  	v17 =	vmax.f32 v24, $9.999999970e-07;
	v13 =	vcvt.f32.s32 v18;
	v18 =	vmul.f32 $2.560000000e+02, v10  }
0x44: {  	[tilespmem:s16+$0x4060] =	vst v8;
	v8 =	vcvt.f32.s32 v62;
	v10 =	vcvt.f32.s32 v63;
	v16 =	vmin.f32 v17, $9.999989860e-01  }
0x45: {  	s18 =	simm.s32 $0x800;
	v17 =	vmin.f32 v19, $9.999989860e-01;
	[tilespmem:s17+$0x40E0] =	vst v13;
	v13 =	vmul.f32 $2.560000000e+02, v16;
	v16 =	vtrunc.f32 v18  }
.LBB2_2:
0x46: {  	s19 =	sshra.s32 s18, $0x2;
	p0 =	sne.s32 s18, $0x7C00;
	s18 =	sadd.s32 $0x400, s18;
	v14 =	vmul.f32 $2.560000000e+02, v14;
	v3 =	vmax.f32 v3, $9.999999970e-07;
	v17 =	vmul.f32 $2.560000000e+02, v17  }
0x47: {  	v15 =	vtrunc.f32 v15;
	v2 =	vmax.f32 v2, $9.999999970e-07;
	v5 =	vtrunc.f32 v5;
	v18 =	vld [tilespmem:s19+$0xD0];
	[tilespmem:s16+$0x40C0] =	vst v1;
	v1 =	vmovc v10  }
0x48: {  	v15 =	vcvt.f32.s32 v15;
	v19 =	vmin.f32 v2, $9.999989860e-01;
	v2 =	vcvt.f32.s32 v16;
	v10 =	vld [tilespmem:s19+$0xE0]  }
0x49: {  	v20 =	vmin.f32 v3, $9.999989860e-01;
	v13 =	vtrunc.f32 v13;
	v3 =	vcvt.f32.s32 v5;
	v16 =	vld [tilespmem:s19+$0xC0];
	[tilespmem:s16+$0x40B0] =	vst v0;
	v0 =	vmovc v8  }
0x4a: {  	v4 =	vmin.f32 v4, $9.999989860e-01;
	v9 =	vtrunc.f32 v9;
	v8 =	vtrunc.f32 v12;
	v5 =	vld [tilespmem:s19+$0xF0];
	[tilespmem:s16+$0x4030] =	vst v2  }
0x4b: {  	v7 =	vmul.f32 $2.560000000e+02, v7;
	v9 =	vcvt.f32.s32 v9;
	v12 =	vld [tilespmem:s19+$0xB0];
	[tilespmem:s16+$0x40A0] =	vst v3;
	s16 =	smov.u32 s17;
	s17 =	smov.u32 s19  }
0x4c: {  	v11 =	vmin.f32 v11, $9.999989860e-01;
	v3 =	vmul.f32 $2.560000000e+02, v4;
	v21 =	vld [tilespmem:s17+$0x90];
	[tilespmem:s16+$0x4010] =	vst v15;
	v15 =	vtrunc.f32 v17  }
0x4d: {  	v6 =	vmul.f32 $2.560000000e+02, v6;
	v7 =	vtrunc.f32 v7;
	v2 =	vld [tilespmem:s17+$0xA0];
	v4 =	vmax.f32 v10, $9.999999970e-07;
	[tilespmem:s16+$0x40F0] =	vst v9  }
0x4e: {  	v10 =	vtrunc.f32 v14;
	v14 =	vtrunc.f32 v3;
	v9 =	vld [tilespmem:s17+$0x50];
	v4 =	vmin.f32 v4, $9.999989860e-01  }
0x4f: {  	v7 =	vcvt.f32.s32 v7;
	v22 =	vld [tilespmem:s17+$0x60];
	v17 =	vmul.f32 $2.560000000e+02, v4;
	v3 =	vmax.f32 v5, $9.999999970e-07  }
0x50: {  	v5 =	vmul.f32 $2.560000000e+02, v19;
	v23 =	vld [tilespmem:s17+$0x0];
	v12 =	vmax.f32 v12, $9.999999970e-07;
	v24 =	vmin.f32 v3, $9.999989860e-01  }
0x51: {  	v8 =	vcvt.f32.s32 v8;
	v3 =	vld [tilespmem:s17+$0x30];
	v4 =	vmax.f32 v21, $9.999999970e-07;
	v12 =	vmin.f32 v12, $9.999989860e-01;
	[tilespmem:s16+$0x4080] =	vst v7  }
0x52: {  	v16 =	vmax.f32 v16, $9.999999970e-07;
	v14 =	vcvt.f32.s32 v14;
	v7 =	vld [tilespmem:s17+$0x80];
	v12 =	vmul.f32 $2.560000000e+02, v12  }
0x53: {  	v6 =	vtrunc.f32 v6;
	v19 =	vmax.f32 v9, $9.999999970e-07;
	v9 =	vmin.f32 v16, $9.999989860e-01;
	[tilespmem:s16+$0x4070] =	vst v8  }
0x54: {  	v10 =	vcvt.f32.s32 v10;
	v8 =	vld [tilespmem:s17+$0x10];
	v16 =	vtrunc.f32 v12;
	v12 =	vmax.f32 v18, $9.999999970e-07;
	[tilespmem:s16+$0x4090] =	vst v14  }
0x55: {  	v6 =	vcvt.f32.s32 v6;
	v9 =	vmul.f32 $2.560000000e+02, v9;
	v14 =	vld [tilespmem:s17+$0x70];
	v12 =	vmin.f32 v12, $9.999989860e-01  }
0x56: {  	v18 =	vmax.f32 v23, $9.999999970e-07;
	v21 =	vld [tilespmem:s17+$0x20];
	v12 =	vmul.f32 $2.560000000e+02, v12;
	[tilespmem:s16+$0x4020] =	vst v10;
	v10 =	vmul.f32 $2.560000000e+02, v11  }
0x57: {  	v11 =	vtrunc.f32 v9;
	v7 =	vmax.f32 v7, $9.999999970e-07;
	[tilespmem:s16+$0x4000] =	vst v6;
	v6 =	vcvt.f32.s32 v15  }
0x58: {  	v15 =	vld [tilespmem:s17+$0x40];
	v7 =	vmin.f32 v7, $9.999989860e-01;
	v9 =	vtrunc.f32 v12;
	v12 =	vcvt.f32.s32 v13  }
0x59: {  	v10 =	vtrunc.f32 v10;
	v8 =	vmax.f32 v8, $9.999999970e-07;
	v9 =	vcvt.f32.s32 v9;
	[tilespmem:s16+$0x4050] =	vst v6  }
0x5a: {  	v13 =	vtrunc.f32 v17;
	v6 =	vmin.f32 v18, $9.999989860e-01;
	v8 =	vmin.f32 v8, $9.999989860e-01;
	[tilespmem:s16+$0x4040] =	vst v12  }
0x5b: {  	v17 =	vmax.f32 v14, $9.999999970e-07;
	v12 =	vmax.f32 v21, $9.999999970e-07;
	[tilespmem:s17+$0x40D0] =	vst v9;
	v9 =	vmul.f32 $2.560000000e+02, v24  }
.Ltmp0:
0x5c: {  	v10 =	vcvt.f32.s32 v10;
	v14 =	vmin.f32 v12, $9.999989860e-01;
	v12 =	vmin.f32 v17, $9.999989860e-01;
	(pc) =	sbr.rel @p0 .LBB2_2-.Ltmp0, $4  }
0x5d: {  	v13 =	vcvt.f32.s32 v13;
	v17 =	vmax.f32 v15, $9.999999970e-07;
	v12 =	vmul.f32 $2.560000000e+02, v12  }
0x5e: {  	v20 =	vmul.f32 $2.560000000e+02, v20;
	v15 =	vmul.f32 $2.560000000e+02, v8;
	v18 =	vmin.f32 v17, $9.999989860e-01;
	[tilespmem:s16+$0x4060] =	vst v10  }
0x5f: {  	v8 =	vcvt.f32.s32 v16;
	v17 =	vmin.f32 v19, $9.999989860e-01;
	v10 =	vcvt.f32.s32 v11;
	[tilespmem:s17+$0x40E0] =	vst v13  }
0x60: {  	v16 =	vtrunc.f32 v20;
	v11 =	vmax.f32 v22, $9.999999970e-07;
	v13 =	vmul.f32 $2.560000000e+02, v18  }
0x61: {  	v14 =	vmul.f32 $2.560000000e+02, v14  }
0x62: {  	v17 =	vmul.f32 $2.560000000e+02, v17;
	v15 =	vtrunc.f32 v15  }
0x63: {  	v5 =	vtrunc.f32 v5;
	v16 =	vcvt.f32.s32 v16  }
0x64: {  	[tilespmem:s16+$0x40B0] =	vst v0;
	v0 =	vtrunc.f32 v9;
	v7 =	vmul.f32 $2.560000000e+02, v7  }
0x65: {  	[tilespmem:s16+$0x40C0] =	vst v1;
	v6 =	vmul.f32 $2.560000000e+02, v6;
	v1 =	vcvt.f32.s32 v5  }
0x66: {  	v15 =	vcvt.f32.s32 v15;
	v5 =	vtrunc.f32 v12;
	[tilespmem:s16+$0x4030] =	vst v16  }
0x67: {  	v4 =	vmin.f32 v4, $9.999989860e-01;
	v0 =	vcvt.f32.s32 v0;
	v9 =	vtrunc.f32 v17;
	[tilespmem:s16+$0x40A0] =	vst v1  }
0x68: {  	v1 =	vmul.f32 $2.560000000e+02, v4;
	v4 =	vtrunc.f32 v7;
	[tilespmem:s17+$0x4010] =	vst v15  }
0x69: {  	v6 =	vtrunc.f32 v6;
	v4 =	vcvt.f32.s32 v4;
	[tilespmem:s17+$0x40F0] =	vst v0  }
0x6a: {  	v3 =	vmax.f32 v3, $9.999999970e-07;
	[tilespmem:s17+$0x40C0] =	vst v10;
	v0 =	vtrunc.f32 v1;
	v1 =	vcvt.f32.s32 v5  }
0x6b: {  	v3 =	vmin.f32 v3, $9.999989860e-01;
	v5 =	vtrunc.f32 v14;
	[tilespmem:s17+$0x4080] =	vst v4;
	v0 =	vcvt.f32.s32 v0  }
0x6c: {  	v3 =	vmul.f32 $2.560000000e+02, v3;
	v4 =	vmin.f32 v11, $9.999989860e-01;
	[tilespmem:s17+$0x4070] =	vst v1;
	v1 =	vcvt.f32.s32 v5  }
0x6d: {  	v4 =	vmul.f32 $2.560000000e+02, v4;
	[tilespmem:s17+$0x4090] =	vst v0;
	v0 =	vcvt.f32.s32 v6  }
0x6e: {  	v2 =	vmax.f32 v2, $9.999999970e-07;
	v5 =	vtrunc.f32 v13;
	[tilespmem:s17+$0x4020] =	vst v1;
	v1 =	vcvt.f32.s32 v9  }
0x6f: {  	v2 =	vmin.f32 v2, $9.999989860e-01;
	v4 =	vtrunc.f32 v4;
	[tilespmem:s17+$0x4000] =	vst v0;
	v0 =	vcvt.f32.s32 v5  }
0x70: {  	v2 =	vmul.f32 $2.560000000e+02, v2;
	[tilespmem:s17+$0x4050] =	vst v1;
	v1 =	vcvt.f32.s32 v4  }
0x71: {  	[tilespmem:s17+$0x4040] =	vst v0;
	v0 =	vtrunc.f32 v3  }
0x72: {  	[tilespmem:s17+$0x4060] =	vst v1;
	v1 =	vtrunc.f32 v2;
	v0 =	vcvt.f32.s32 v0  }
0x73: {  	[tilespmem:s17+$0x40B0] =	vst v8;
	v1 =	vcvt.f32.s32 v1  }
0x74: {  	[tilespmem:s17+$0x4030] =	vst v0  }
0x75: {  	[tilespmem:s17+$0x40A0] =	vst v1  }
0x76: {  	[hbm4b:s5+s7] =	stream.strided.scatter [tilespmem:s11], [sflag:$0x2], $0x2000, s8, s7, $0x38;
	[tilespmem:$0x8000] =	vst v63  }
0x77: {  	_ =	swait.ge [sflag:s10], $0x2000  }
0x78: {  	[sflag:s10] =	ssyncset.done $0x0  }
0x79: {  	s16 =	simm.s32 $0x0;
	[sflag:s10] =	ssyncadd.s32 $0xFFFFE000  }
0x7a: {  	v0 =	vld [tilespmem:s16+$0x20D0]  }
0x7b: {  	v1 =	vld [tilespmem:s16+$0x20E0]  }
0x7c: {  	v2 =	vld [tilespmem:s16+$0x20C0]  }
0x7d: {  	v3 =	vld [tilespmem:s16+$0x20B0]  }
0x7e: {  	v4 =	vld [tilespmem:s16+$0x20F0]  }
0x7f: {  	v5 =	vld [tilespmem:s16+$0x2090]  }
0x80: {  	v6 =	vld [tilespmem:s16+$0x2050]  }
0x81: {  	v7 =	vld [tilespmem:s16+$0x2000]  }
0x82: {  	v8 =	vld [tilespmem:s16+$0x2080]  }
0x83: {  	v9 =	vld [tilespmem:s16+$0x2010]  }
0x84: {  	v11 =	vld [tilespmem:s16+$0x2020];
	_ =	sdelay $0x1  }
0x85: {  	v1 =	vmax.f32 v1, $9.999999970e-07;
	v3 =	vmax.f32 v3, $9.999999970e-07;
	v0 =	vmax.f32 v0, $9.999999970e-07  }
0x86: {  	v4 =	vmax.f32 v4, $9.999999970e-07;
	v2 =	vmax.f32 v2, $9.999999970e-07;
	v5 =	vmax.f32 v5, $9.999999970e-07  }
0x87: {  	v6 =	vmax.f32 v6, $9.999999970e-07;
	v7 =	vmax.f32 v7, $9.999999970e-07;
	v8 =	vmax.f32 v8, $9.999999970e-07  }
0x88: {  	v9 =	vmax.f32 v9, $9.999999970e-07;
	v11 =	vmax.f32 v11, $9.999999970e-07;
	v1 =	vmin.f32 v1, $9.999989860e-01  }
0x89: {  	v3 =	vmin.f32 v3, $9.999989860e-01;
	v0 =	vmin.f32 v0, $9.999989860e-01;
	v4 =	vmin.f32 v4, $9.999989860e-01  }
0x8a: {  	v2 =	vmin.f32 v2, $9.999989860e-01;
	v1 =	vmul.f32 $2.560000000e+02, v1;
	v3 =	vmul.f32 $2.560000000e+02, v3  }
0x8b: {  	v10 =	vld [tilespmem:s16+$0x2070];
	v9 =	vmin.f32 v9, $9.999989860e-01;
	v0 =	vmul.f32 $2.560000000e+02, v0;
	v2 =	vmul.f32 $2.560000000e+02, v2  }
0x8c: {  	v6 =	vmin.f32 v6, $9.999989860e-01;
	v9 =	vmul.f32 $2.560000000e+02, v9;
	v4 =	vmul.f32 $2.560000000e+02, v4  }
0x8d: {  	v14 =	vld [tilespmem:s16+$0x2040];
	v11 =	vmin.f32 v11, $9.999989860e-01;
	v6 =	vmul.f32 $2.560000000e+02, v6;
	v0 =	vtrunc.f32 v0  }
0x8e: {  	v12 =	vld [tilespmem:s16+$0x20A0];
	v8 =	vmin.f32 v8, $9.999989860e-01;
	v11 =	vmul.f32 $2.560000000e+02, v11;
	v0 =	vcvt.f32.s32 v0  }
0x8f: {  	v13 =	vld [tilespmem:s16+$0x2060];
	v7 =	vmin.f32 v7, $9.999989860e-01;
	v8 =	vmul.f32 $2.560000000e+02, v8;
	v3 =	vtrunc.f32 v3  }
0x90: {  	s17 =	simm.s32 $0x100;
	v15 =	vld [tilespmem:s16+$0x2030];
	v10 =	vmax.f32 v10, $9.999999970e-07;
	v27 =	vmul.f32 $2.560000000e+02, v7;
	v3 =	vcvt.f32.s32 v3;
	[tilespmem:s16+$0x60D0] =	vst v0  }
0x91: {  	v2 =	vtrunc.f32 v2;
	v9 =	vtrunc.f32 v9;
	v0 =	vmin.f32 v10, $9.999989860e-01;
	v10 =	vld [tilespmem:s17+$0x20D0]  }
0x92: {  	v9 =	vcvt.f32.s32 v9;
	v16 =	vmul.f32 $2.560000000e+02, v0;
	v17 =	vld [tilespmem:s17+$0x20E0];
	v0 =	vmax.f32 v14, $9.999999970e-07;
	[tilespmem:s16+$0x60B0] =	vst v3  }
0x93: {  	v1 =	vtrunc.f32 v1;
	v4 =	vtrunc.f32 v4;
	v3 =	vmin.f32 v0, $9.999989860e-01;
	v14 =	vld [tilespmem:s17+$0x20C0]  }
0x94: {  	v0 =	vcvt.f32.s32 v2;
	v2 =	vmul.f32 $2.560000000e+02, v3;
	v3 =	vmax.f32 v13, $9.999999970e-07;
	v13 =	vld [tilespmem:s17+$0x20F0];
	[tilespmem:s16+$0x6010] =	vst v9  }
0x95: {  	v15 =	vmax.f32 v15, $9.999999970e-07;
	v20 =	vtrunc.f32 v6;
	v11 =	vtrunc.f32 v11;
	v18 =	vld [tilespmem:s17+$0x20B0]  }
0x96: {  	v12 =	vmax.f32 v12, $9.999999970e-07;
	v8 =	vtrunc.f32 v8;
	v4 =	vcvt.f32.s32 v4;
	v19 =	vld [tilespmem:s17+$0x2090]  }
0x97: {  	v5 =	vmin.f32 v5, $9.999989860e-01;
	v8 =	vcvt.f32.s32 v8;
	v20 =	vcvt.f32.s32 v20;
	v22 =	vld [tilespmem:s17+$0x2060]  }
0x98: {  	v63 =	vcvt.f32.s32 v11;
	v9 =	vcvt.f32.s32 v1;
	v1 =	vmin.f32 v15, $9.999989860e-01;
	v23 =	vld [tilespmem:s17+$0x2000]  }
0x99: {  	v16 =	vtrunc.f32 v16;
	v21 =	vmin.f32 v3, $9.999989860e-01;
	v25 =	vld [tilespmem:s17+$0x2010];
	v3 =	vmax.f32 v17, $9.999999970e-07  }
0x9a: {  	v16 =	vcvt.f32.s32 v16;
	v15 =	vtrunc.f32 v2;
	v2 =	vld [tilespmem:s17+$0x20A0];
	v3 =	vmin.f32 v3, $9.999989860e-01  }
0x9b: {  	v17 =	vld [tilespmem:s17+$0x2050];
	v15 =	vcvt.f32.s32 v15;
	v14 =	vmax.f32 v14, $9.999999970e-07;
	v6 =	vmul.f32 $2.560000000e+02, v3  }
0x9c: {  	v3 =	vmax.f32 v13, $9.999999970e-07;
	v13 =	vmul.f32 $2.560000000e+02, v5;
	v5 =	vld [tilespmem:s17+$0x2030];
	v14 =	vmin.f32 v14, $9.999989860e-01  }
0x9d: {  	v18 =	vmax.f32 v18, $9.999999970e-07;
	v24 =	vmin.f32 v3, $9.999989860e-01;
	v3 =	vmax.f32 v19, $9.999999970e-07;
	v19 =	vld [tilespmem:s17+$0x2080]  }
0x9e: {  	[tilespmem:s16+$0x60F0] =	vst v4;
	v4 =	vmax.f32 v10, $9.999999970e-07;
	v14 =	vmul.f32 $2.560000000e+02, v14;
	v18 =	vmin.f32 v18, $9.999989860e-01  }
0x9f: {  	v13 =	vtrunc.f32 v13;
	v10 =	vld [tilespmem:s17+$0x2070];
	v4 =	vmin.f32 v4, $9.999989860e-01;
	v18 =	vmul.f32 $2.560000000e+02, v18  }
0xa0: {  	v12 =	vmin.f32 v12, $9.999989860e-01;
	v4 =	vmul.f32 $2.560000000e+02, v4;
	v13 =	vcvt.f32.s32 v13  }
0xa1: {  	v23 =	vmax.f32 v23, $9.999999970e-07;
	v26 =	vtrunc.f32 v18;
	v18 =	vld [tilespmem:s17+$0x2020];
	[tilespmem:s16+$0x6040] =	vst v15;
	v15 =	vtrunc.f32 v14  }
0xa2: {  	v17 =	vmax.f32 v17, $9.999999970e-07;
	[tilespmem:s16+$0x6070] =	vst v16;
	v4 =	vtrunc.f32 v4;
	v16 =	vtrunc.f32 v27  }
0xa3: {  	v7 =	vmax.f32 v19, $9.999999970e-07;
	v14 =	vld [tilespmem:s17+$0x2040];
	v19 =	vmax.f32 v25, $9.999999970e-07;
	v62 =	vcvt.f32.s32 v4  }
0xa4: {  	v16 =	vcvt.f32.s32 v16;
	v4 =	vmin.f32 v23, $9.999989860e-01;
	[tilespmem:s16+$0x60E0] =	vst v9;
	v9 =	vmax.f32 v10, $9.999999970e-07  }
0xa5: {  	[tilespmem:s16+$0x6090] =	vst v13;
	v13 =	vmul.f32 $2.560000000e+02, v24;
	v7 =	vmin.f32 v7, $9.999989860e-01;
	v9 =	vmin.f32 v9, $9.999989860e-01  }
0xa6: {  	[tilespmem:s16+$0x6080] =	vst v8;
	v19 =	vmin.f32 v19, $9.999989860e-01;
	v10 =	vmul.f32 $2.560000000e+02, v12;
	v12 =	vmul.f32 $2.560000000e+02, v9  }
0xa7: {  	[tilespmem:s16+$0x6050] =	vst v20;
	v9 =	vcvt.f32.s32 v15;
	v15 =	vmul.f32 $2.560000000e+02, v21;
	v8 =	vmax.f32 v18, $9.999999970e-07  }
0xa8: {  	[tilespmem:s16+$0x6000] =	vst v16;
	v18 =	vmin.f32 v17, $9.999989860e-01;
	v17 =	vcvt.f32.s32 v26;
	v11 =	vmax.f32 v14, $9.999999970e-07  }
0xa9: {  	[tilespmem:s17+$0x60D0] =	vst v62;
	v8 =	vmin.f32 v8, $9.999989860e-01;
	v14 =	vmul.f32 $2.560000000e+02, v19;
	v16 =	vmin.f32 v11, $9.999989860e-01  }
0xaa: {  	s18 =	simm.s32 $0x800;
	[tilespmem:s16+$0x6020] =	vst v63;
	v11 =	vtrunc.f32 v10;
	v10 =	vmax.f32 v22, $9.999999970e-07;
	v16 =	vmul.f32 $2.560000000e+02, v16  }
.LBB2_4:
0xab: {  	s19 =	sshra.s32 s18, $0x2;
	p0 =	sne.s32 s18, $0x7C00;
	s18 =	sadd.s32 $0x400, s18;
	v5 =	vmax.f32 v5, $9.999999970e-07;
	v18 =	vmul.f32 $2.560000000e+02, v18;
	v6 =	vtrunc.f32 v6  }
0xac: {  	v14 =	vtrunc.f32 v14;
	v2 =	vmax.f32 v2, $9.999999970e-07;
	v19 =	vld [tilespmem:s19+$0x20D0];
	v20 =	vcvt.f32.s32 v6;
	[tilespmem:s16+$0x60C0] =	vst v0;
	v0 =	vmovc v9  }
0xad: {  	v9 =	vcvt.f32.s32 v14;
	v14 =	vmin.f32 v2, $9.999989860e-01;
	v2 =	vtrunc.f32 v15;
	v6 =	vld [tilespmem:s19+$0x20E0];
	[tilespmem:s17+$0x60B0] =	vst v17  }
0xae: {  	v13 =	vtrunc.f32 v13;
	v5 =	vmin.f32 v5, $9.999989860e-01;
	v16 =	vtrunc.f32 v16;
	v15 =	vld [tilespmem:s19+$0x20C0]  }
0xaf: {  	v3 =	vmin.f32 v3, $9.999989860e-01;
	v17 =	vld [tilespmem:s19+$0x20F0];
	[tilespmem:s17+$0x6010] =	vst v9;
	v9 =	vtrunc.f32 v12;
	v12 =	vmul.f32 $2.560000000e+02, v1;
	v1 =	vmovc v5  }
0xb0: {  	v8 =	vmul.f32 $2.560000000e+02, v8;
	v21 =	vcvt.f32.s32 v2;
	v5 =	vld [tilespmem:s19+$0x20B0]  }
0xb1: {  	v10 =	vmin.f32 v10, $9.999989860e-01;
	v18 =	vtrunc.f32 v18;
	v22 =	vld [tilespmem:s19+$0x2090];
	v12 =	vtrunc.f32 v12  }
0xb2: {  	v7 =	vmul.f32 $2.560000000e+02, v7;
	v11 =	vcvt.f32.s32 v11;
	v2 =	vld [tilespmem:s19+$0x20A0];
	v6 =	vmax.f32 v6, $9.999999970e-07;
	[tilespmem:s16+$0x6060] =	vst v21  }
0xb3: {  	v16 =	vcvt.f32.s32 v16;
	v12 =	vcvt.f32.s32 v12;
	v21 =	vld [tilespmem:s19+$0x2050];
	v6 =	vmin.f32 v6, $9.999989860e-01  }
0xb4: {  	v24 =	vmul.f32 $2.560000000e+02, v3;
	v23 =	vld [tilespmem:s19+$0x2060];
	v6 =	vmul.f32 $2.560000000e+02, v6;
	v17 =	vmax.f32 v17, $9.999999970e-07;
	[tilespmem:s16+$0x60A0] =	vst v11  }
0xb5: {  	v26 =	vtrunc.f32 v8;
	v11 =	vld [tilespmem:s19+$0x2000];
	v25 =	vmax.f32 v5, $9.999999970e-07;
	v17 =	vmin.f32 v17, $9.999989860e-01;
	[tilespmem:s16+$0x6030] =	vst v12;
	s16 =	smov.u32 s17;
	s17 =	smov.u32 s19  }
0xb6: {  	v12 =	vtrunc.f32 v24;
	v5 =	vld [tilespmem:s17+$0x2030];
	v3 =	vmax.f32 v22, $9.999999970e-07;
	v8 =	vmin.f32 v25, $9.999989860e-01  }
0xb7: {  	v13 =	vcvt.f32.s32 v13;
	v15 =	vmax.f32 v15, $9.999999970e-07;
	v22 =	vld [tilespmem:s17+$0x2080];
	v8 =	vmul.f32 $2.560000000e+02, v8  }
0xb8: {  	v7 =	vtrunc.f32 v7;
	v15 =	vmin.f32 v15, $9.999989860e-01;
	v21 =	vmax.f32 v21, $9.999999970e-07  }
0xb9: {  	v24 =	vld [tilespmem:s17+$0x2010];
	v25 =	vtrunc.f32 v8;
	v8 =	vmax.f32 v19, $9.999999970e-07;
	v19 =	vcvt.f32.s32 v7;
	[tilespmem:s16+$0x60F0] =	vst v13  }
0xba: {  	v9 =	vcvt.f32.s32 v9;
	v7 =	vmul.f32 $2.560000000e+02, v15;
	v13 =	vld [tilespmem:s17+$0x2070];
	v8 =	vmin.f32 v8, $9.999989860e-01  }
0xbb: {  	v4 =	vmul.f32 $2.560000000e+02, v4;
	v11 =	vmax.f32 v11, $9.999999970e-07;
	v15 =	vld [tilespmem:s17+$0x2020];
	v8 =	vmul.f32 $2.560000000e+02, v8;
	[tilespmem:s16+$0x6040] =	vst v16  }
0xbc: {  	v16 =	vmax.f32 v22, $9.999999970e-07;
	v22 =	vtrunc.f32 v7;
	[tilespmem:s16+$0x6070] =	vst v9;
	v9 =	vcvt.f32.s32 v12  }
0xbd: {  	v4 =	vtrunc.f32 v4;
	v12 =	vld [tilespmem:s17+$0x2040];
	v7 =	vmin.f32 v16, $9.999989860e-01;
	v8 =	vtrunc.f32 v8;
	[tilespmem:s16+$0x6080] =	vst v19  }
0xbe: {  	v16 =	vmax.f32 v24, $9.999999970e-07;
	v19 =	vcvt.f32.s32 v8;
	v8 =	vcvt.f32.s32 v4;
	[tilespmem:s16+$0x60E0] =	vst v20  }
0xbf: {  	v4 =	vmin.f32 v11, $9.999989860e-01;
	v11 =	vmin.f32 v16, $9.999989860e-01;
	v16 =	vcvt.f32.s32 v18;
	[tilespmem:s16+$0x6090] =	vst v9  }
0xc0: {  	v13 =	vmax.f32 v13, $9.999999970e-07;
	v9 =	vmax.f32 v15, $9.999999970e-07;
	[tilespmem:s16+$0x6000] =	vst v8;
	v15 =	vmul.f32 $2.560000000e+02, v14  }
.Ltmp1:
0xc1: {  	v18 =	vcvt.f32.s32 v26;
	v8 =	vmin.f32 v9, $9.999989860e-01;
	v9 =	vmin.f32 v13, $9.999989860e-01;
	[tilespmem:s16+$0x6050] =	vst v16;
	(pc) =	sbr.rel @p0 .LBB2_4-.Ltmp1, $4  }
0xc2: {  	v13 =	vmul.f32 $2.560000000e+02, v17;
	v16 =	vmax.f32 v12, $9.999999970e-07;
	v12 =	vmul.f32 $2.560000000e+02, v9;
	[tilespmem:s17+$0x60D0] =	vst v19  }
0xc3: {  	v14 =	vmul.f32 $2.560000000e+02, v11;
	v11 =	vtrunc.f32 v15;
	v16 =	vmin.f32 v16, $9.999989860e-01;
	[tilespmem:s16+$0x6020] =	vst v18  }
0xc4: {  	v9 =	vcvt.f32.s32 v22;
	v15 =	vmul.f32 $2.560000000e+02, v10;
	v18 =	vmin.f32 v21, $9.999989860e-01  }
0xc5: {  	v17 =	vcvt.f32.s32 v25;
	v10 =	vmax.f32 v23, $9.999999970e-07;
	v16 =	vmul.f32 $2.560000000e+02, v16  }
0xc6: {  	v18 =	vmul.f32 $2.560000000e+02, v18  }
0xc7: {  	v6 =	vtrunc.f32 v6;
	v14 =	vtrunc.f32 v14  }
0xc8: {  	v15 =	vtrunc.f32 v15;
	v49 =	vtrunc.f32 v13  }
0xc9: {  	v1 =	vmul.f32 $2.560000000e+02, v1;
	v12 =	vtrunc.f32 v12  }
0xca: {  	[tilespmem:s16+$0x60C0] =	vst v0;
	v11 =	vcvt.f32.s32 v11;
	v14 =	vcvt.f32.s32 v14  }
0xcb: {  	v8 =	vmul.f32 $2.560000000e+02, v8;
	[tilespmem:s17+$0x60B0] =	vst v17;
	v50 =	vcvt.f32.s32 v15  }
0xcc: {  	v7 =	vmul.f32 $2.560000000e+02, v7;
	v1 =	vtrunc.f32 v1;
	[tilespmem:s17+$0x6010] =	vst v14  }
0xcd: {  	v4 =	vmul.f32 $2.560000000e+02, v4;
	v1 =	vcvt.f32.s32 v1;
	[tilespmem:s16+$0x6060] =	vst v50  }
0xce: {  	v3 =	vmin.f32 v3, $9.999989860e-01;
	v16 =	vtrunc.f32 v16;
	v0 =	vcvt.f32.s32 v49;
	[tilespmem:s16+$0x60A0] =	vst v11  }
0xcf: {  	v3 =	vmul.f32 $2.560000000e+02, v3;
	v51 =	vcvt.f32.s32 v16;
	[tilespmem:s16+$0x6030] =	vst v1  }
0xd0: {  	v6 =	vcvt.f32.s32 v6;
	v53 =	vcvt.f32.s32 v12;
	[tilespmem:s17+$0x60F0] =	vst v0  }
0xd1: {  	v52 =	vtrunc.f32 v7;
	v3 =	vtrunc.f32 v3;
	[tilespmem:s17+$0x6040] =	vst v51  }
0xd2: {  	v5 =	vmax.f32 v5, $9.999999970e-07;
	v57 =	vtrunc.f32 v4;
	v56 =	vcvt.f32.s32 v3;
	[tilespmem:s17+$0x6070] =	vst v53  }
0xd3: {  	v55 =	vmax.f32 v2, $9.999999970e-07;
	v54 =	vtrunc.f32 v18;
	v3 =	vcvt.f32.s32 v57;
	[tilespmem:s17+$0x60E0] =	vst v6  }
0xd4: {  	v61 =	vmin.f32 v5, $9.999989860e-01;
	v59 =	vtrunc.f32 v8;
	v1 =	vcvt.f32.s32 v52;
	[tilespmem:s17+$0x6090] =	vst v56  }
0xd5: {  	v58 =	vmin.f32 v10, $9.999989860e-01;
	v2 =	vmul.f32 $2.560000000e+02, v61;
	v60 =	vcvt.f32.s32 v54;
	[tilespmem:s17+$0x6000] =	vst v3  }
0xd6: {  	v62 =	vcvt.f32.s32 v59;
	v0 =	vmin.f32 v55, $9.999989860e-01;
	[tilespmem:s17+$0x6080] =	vst v1;
	v1 =	vmul.f32 $2.560000000e+02, v58  }
0xd7: {  	v2 =	vtrunc.f32 v2;
	[tilespmem:s17+$0x6050] =	vst v60;
	v0 =	vmul.f32 $2.560000000e+02, v0  }
0xd8: {  	v63 =	vcvt.f32.s32 v2;
	[tilespmem:s17+$0x6020] =	vst v62;
	v1 =	vtrunc.f32 v1  }
0xd9: {  	[tilespmem:s17+$0x60C0] =	vst v9;
	v0 =	vtrunc.f32 v0;
	v1 =	vcvt.f32.s32 v1  }
0xda: {  	[tilespmem:s17+$0x6030] =	vst v63;
	v0 =	vcvt.f32.s32 v0  }
0xdb: {  	[tilespmem:s17+$0x6060] =	vst v1  }
0xdc: {  	s15 =	sadd.s32 $0x1, s15;
	[tilespmem:s17+$0x60A0] =	vst v0  }
0xdd: {  	[hbm4b:s12+s7] =	stream.strided.scatter [tilespmem:s13], [sflag:$0x2], $0x2000, s8, s7, $0x38;
	[tilespmem:$0x8000] =	vst v63  }
0xde: {  	p0 =	sne.s32 s15, s6;
	_ =	swait.ge [sflag:s14], $0x2000  }
.Ltmp2:
0xdf: {  	[sflag:s14] =	ssyncset.done $0x0;
	(pc) =	sbr.rel @p0 .LBB2_1-.Ltmp2, $4  }
0xe0: {  	[sflag:s14] =	ssyncadd.s32 $0xFFFFE000  }
0xe1: {  	_ =	swait.ge [sflag:s14], $0x2000  }
0xe2: {  	[sflag:s14] =	ssyncset.done $0x0  }
0xe3: {  	[sflag:s14] =	ssyncadd.s32 $0xFFFFE000  }
0xe4: {  	_ =	sfence.sel $0x180000  }
0xe5: {  	[bflag:$0x0] =	sbarrier.arrive $0xFFFF  }
0xe6: {  	p0 =	sne.s32 s1, $0x0;
	_ =	strace $0x90000047  }
0xe7: {  	s0 =	sadd.s32 @!p0 $0x100000, s0;
	[bflag:$0x2] =	sbarrier.arrive $0xFFFF  }
0xe8: {  	[sflag:s0] =	ssyncadd.tile.s32 @!p0 $0x1;
	_ =	shalt  }
.Lfunc_end2:
_tile_overlayer_lowered:
.L_overlay_start_2:
0xe9: {  	(tag) =	ssettag $0x2  }
0xea: {  	s0 =	rddreg [dreg:$0x0];
	s2 =	stileid.u32  }
0xeb: {  	s1 =	rddreg [dreg:$0x1];
	p0 =	sne.s32 s2, $0x0  }
0xec: {  	s3 =	rddreg [dreg:$0x2];
	[bflag:$0x3] =	sbarrier.arrive $0xFFFF;
	s2 =	simm.s32 @!p0 $0x1C03  }
0xed: {  	[timem:s3], [sflag:s2] =	dma.local @!p0 [hbm:s0], s1  }
0xee: {  	s0 =	simm.s32 @!p0 $0x3  }
0xef: {  	_ =	swait.ge @!p0 [sflag:s0], s1  }
0xf0: {  	s1 =	ssub.s32 @!p0 $0x0, s1;
	[sflag:s0] =	ssyncset.done @!p0 $0x0  }
0xf1: {  	[sflag:s0] =	ssyncadd.s32 @!p0 s1  }
0xf2: {  	[bflag:$0x3] =	sbarrier.arrive $0xFFFF  }
0xf3: {  	_ =	shalt  }

</sc_bundles>
